<compile_context>
chip_gen: v7x
topology: tpu7x:2x2x1
jax: 0.10.2.dev20260603
libtpu: 0.0.44.dev20260713+nightly
codegen_flags: <defaults>
</compile_context>

<pallas_src>
import functools

import jax
import jax.numpy as jnp
from jax import lax
from jax.experimental import pallas as pl
from jax.experimental.pallas import tpu as pltpu
from jax.experimental.pallas import tpu_sc as plsc

_N = 8388608
_F = 2 * _N
_NW = 32
_FPW = _F // _NW
_CF = 16384
_NCHUNK = _FPW // _CF
_L = 16
_BLK = 256


def _make_sc_kernel():
    mesh = plsc.VectorSubcoreMesh(core_axis_name="c", subcore_axis_name="s")

    @functools.partial(
        pl.kernel,
        mesh=mesh,
        out_type=jax.ShapeDtypeStruct((_F,), jnp.float32),
        scratch_types=[
            pltpu.VMEM((_CF,), jnp.float32),
            pltpu.VMEM((_CF,), jnp.float32),
            pltpu.VMEM((_CF,), jnp.float32),
            pltpu.VMEM((_CF,), jnp.float32),
            pltpu.SemaphoreType.DMA,
            pltpu.SemaphoreType.DMA,
            pltpu.SemaphoreType.DMA,
            pltpu.SemaphoreType.DMA,
        ],
        compiler_params=pltpu.CompilerParams(needs_layout_passes=False),
    )
    def _k(x_hbm, o_hbm, xb0, xb1, ob0, ob1, is0, is1, os0, os1):
        cid = lax.axis_index("c")
        sid = lax.axis_index("s")
        wid = sid * 2 + cid
        base = wid * _FPW
        fzero = jnp.zeros((_L,), jnp.float32)
        xbufs = (xb0, xb1)
        obufs = (ob0, ob1)
        isems = (is0, is1)
        osems = (os0, os1)

        def in_copy(ci, b):
            return pltpu.make_async_copy(
                x_hbm.at[pl.ds(base + ci * _CF, _CF)], xbufs[b], isems[b])

        def out_copy(ci, b):
            return pltpu.make_async_copy(
                obufs[b], o_hbm.at[pl.ds(base + ci * _CF, _CF)], osems[b])

        def compute(b):
            xbuf = xbufs[b]
            obuf = obufs[b]

            def blk_body(bi, c2):
                lbase = bi * _BLK
                for v in range(128 // _L):
                    lpos = lbase + v * _L
                    upos = lpos + 128
                    l = xbuf[pl.ds(lpos, _L)]
                    u = xbuf[pl.ds(upos, _L)]
                    keep_l = (l >= fzero) | (u > -l)
                    out_l = jnp.where(keep_l, l, fzero)
                    out_u = jnp.where(l >= fzero, u, jnp.maximum(u, fzero))
                    obuf[pl.ds(lpos, _L)] = out_l
                    obuf[pl.ds(upos, _L)] = out_u
                return c2

            lax.fori_loop(0, _CF // _BLK, blk_body, 0)

        in_copy(0, 0).start()

        @pl.loop(0, _NCHUNK, step=2)
        def _ring(g):
            for b in range(2):
                ci = g + b

                @pl.when(ci + 1 < _NCHUNK)
                def _start_next_in():
                    in_copy(ci + 1, 1 - b).start()

                in_copy(ci, b).wait()

                @pl.when(ci >= 2)
                def _wait_prev_out():
                    out_copy(ci - 2, b).wait()

                compute(b)
                out_copy(ci, b).start()

        out_copy(_NCHUNK - 2, 0).wait()
        out_copy(_NCHUNK - 1, 1).wait()

    return _k


_sc_kernel = _make_sc_kernel()


def kernel(bounds):
    n = bounds.shape[0]
    phys = bounds.reshape(n // 128, 128, 2).transpose(0, 2, 1).reshape(_F)
    out_phys = _sc_kernel(phys)
    return out_phys.reshape(n // 128, 2, 128).transpose(0, 2, 1).reshape(n, 2)

# --- scband reference (transcript-rebuilt; emitter-appended) ---
"""Pipeline reference for scband-re-lutransformer-73529840108019 (READ-ONLY COPY).

The authoritative reference and input builder live on the scoring server;
editing this copy changes nothing except your own understanding.
"""

import jax, jax.numpy as jnp
import numpy as np

N = 8388608

def setup_inputs(seed: int = 0) -> dict:
    key = jax.random.key(seed)
    bounds = jax.random.normal(key, (N, 2), dtype=jnp.float32)
    return {"bounds": bounds}

def reference(bounds):
    lower = bounds[:, 0]
    upper = bounds[:, 1]
    ind2 = lower >= 0
    ind3 = (upper > 0) & (lower < 0)
    ind4 = (upper > -lower) & ind3
    # out bounds start at zero; writes in torch order:
    #   out[ind3, 1] = upper[ind3]; out[ind4, :] = bounds[ind4, :]; out[ind2, :] = bounds[ind2, :]
    out_upper = jnp.where(ind3, upper, jnp.zeros_like(upper))
    out_lower = jnp.where(ind4, lower, jnp.zeros_like(lower))
    out_upper = jnp.where(ind2, upper, out_upper)
    out_lower = jnp.where(ind2, lower, out_lower)
    out_bounds = jnp.stack([out_lower, out_upper], axis=1)
    # lmbda / beta / mu are stored as module attributes in torch but not returned;
    # computed here for faithfulness of the forward math.
    ind5 = ind3 | ind4  # ind4 is a subset of ind3, torch bool add == OR
    diff = upper - lower
    safe_diff = jnp.where(ind5, diff, jnp.ones_like(diff))
    lmbda = jnp.where(ind2, 1.0, jnp.where(ind5, upper / safe_diff, 0.0)).astype(bounds.dtype)
    beta = jnp.where(ind2 | ind4, 1.0, 0.0).astype(bounds.dtype)
    mu = jnp.where(ind5, (-lower * upper) / safe_diff, 0.0).astype(bounds.dtype)
    del lmbda, beta, mu
    return out_bounds

if __name__ == "__main__":
    import jax
    _d = setup_inputs()
    print(jax.jit(kernel)(*tuple(_d.values())))

</pallas_src>

<mosaic_0001>
#map = affine_map<(d0, d1) -> (0)>
module attributes {stable_mosaic.version = 14 : i64} {
  func.func @_k(%arg0: i32, %arg1: i32, %arg2: memref<16777216xf32, #tpu.memory_space<hbm>>, %arg3: memref<16777216xf32, #tpu.memory_space<hbm>>, %arg4: memref<16384xf32, #tpu.memory_space<vmem>>, %arg5: memref<16384xf32, #tpu.memory_space<vmem>>, %arg6: memref<16384xf32, #tpu.memory_space<vmem>>, %arg7: memref<16384xf32, #tpu.memory_space<vmem>>, %arg8: memref<!tpu.dma_semaphore, #tpu.memory_space<semaphore_mem>>, %arg9: memref<!tpu.dma_semaphore, #tpu.memory_space<semaphore_mem>>, %arg10: memref<!tpu.dma_semaphore, #tpu.memory_space<semaphore_mem>>, %arg11: memref<!tpu.dma_semaphore, #tpu.memory_space<semaphore_mem>>) attributes {dimension_semantics = [#tpu.dimension_semantics<core_parallel>, #tpu.dimension_semantics<subcore_parallel>], iteration_bounds = array<i64: 2, 16>, scalar_prefetch = 0 : i64, scratch_operands = 8 : i64, tpu.core_type = #tpu.core_type<sc_vector_subcore>, window_params = [{transform_indices = #map}, {transform_indices = #map}]} {
    %mul3A = arith.constant 2 : i32
    %mul3A_0 = arith.muli %arg1, %mul3A : i32
    %add3A = arith.addi %mul3A_0, %arg0 : i32
    %mul3A_1 = arith.constant 524288 : i32
    %mul3A_2 = arith.muli %add3A, %mul3A_1 : i32
    %broadcast_in_dim3A = arith.constant 0.000000e+00 : f32
    %broadcast_in_dim3A_3 = vector.broadcast %broadcast_in_dim3A : f32 to vector<16xf32>
    %add3A_4 = arith.constant 0 : i32
    %add3A_5 = arith.addi %mul3A_2, %add3A_4 : i32
    %dma_start3A = tpu.memref_slice %arg2[%add3A_5] : memref<16777216xf32, #tpu.memory_space<hbm>> -> memref<16384xf32, #tpu.memory_space<hbm>>
    %dma_start3A_6 = tpu.memref_slice %arg2[%add3A_5] : memref<16777216xf32, #tpu.memory_space<hbm>> -> memref<16384xf32, #tpu.memory_space<hbm>>
    tpu.enqueue_dma source(%dma_start3A_6 : memref<16384xf32, #tpu.memory_space<hbm>>) target(%arg4 : memref<16384xf32, #tpu.memory_space<vmem>>) target_semaphore(%arg8 : memref<!tpu.dma_semaphore, #tpu.memory_space<semaphore_mem>>)
    %scan3A = arith.constant 0 : i32
    %scan3A_7 = arith.constant 16 : i32
    %scan3A_8 = arith.addi %scan3A, %scan3A_7 : i32
    %scan3A_9 = arith.constant 1 : i32
    scf.for %scan3A_18 = %scan3A to %scan3A_8 step %scan3A_9  : i32 {
      %mul3A_19 = arith.constant 2 : i32
      %mul3A_20 = arith.muli %scan3A_18, %mul3A_19 : i32
      %add3A_21 = arith.constant 0 : i32
      %add3A_22 = arith.addi %add3A_21, %mul3A_20 : i32
      %add3A_23 = arith.constant 0 : i32
      %add3A_24 = arith.addi %add3A_22, %add3A_23 : i32
      %add3A_25 = arith.constant 1 : i32
      %add3A_26 = arith.addi %add3A_24, %add3A_25 : i32
      %lt3A = arith.constant 32 : i32
      %lt3A_27 = arith.cmpi slt, %add3A_26, %lt3A : i32
      %convert_element_type3A = arith.extui %lt3A_27 : i1 to i32
      %cond3A = arith.constant 0 : i32
      %cond3A_28 = arith.cmpi ne, %convert_element_type3A, %cond3A : i32
      scf.if %cond3A_28 {
        %add3A_79 = arith.constant 1 : i32
        %add3A_80 = arith.addi %add3A_24, %add3A_79 : i32
        %mul3A_81 = arith.constant 16384 : i32
        %mul3A_82 = arith.muli %add3A_80, %mul3A_81 : i32
        %add3A_83 = arith.addi %mul3A_2, %mul3A_82 : i32
        %dma_start3A_84 = tpu.memref_slice %arg2[%add3A_83] : memref<16777216xf32, #tpu.memory_space<hbm>> -> memref<16384xf32, #tpu.memory_space<hbm>>
        %dma_start3A_85 = tpu.memref_slice %arg2[%add3A_83] : memref<16777216xf32, #tpu.memory_space<hbm>> -> memref<16384xf32, #tpu.memory_space<hbm>>
        tpu.enqueue_dma source(%dma_start3A_85 : memref<16384xf32, #tpu.memory_space<hbm>>) target(%arg5 : memref<16384xf32, #tpu.memory_space<vmem>>) target_semaphore(%arg9 : memref<!tpu.dma_semaphore, #tpu.memory_space<semaphore_mem>>)
      } else {
      }
      %mul3A_29 = arith.constant 16384 : i32
      %mul3A_30 = arith.muli %add3A_24, %mul3A_29 : i32
      %add3A_31 = arith.addi %mul3A_2, %mul3A_30 : i32
      %dma_wait3A_32 = tpu.memref_slice %arg2[%add3A_31] : memref<16777216xf32, #tpu.memory_space<hbm>> -> memref<16384xf32, #tpu.memory_space<hbm>>
      %dma_wait3A_33 = tpu.memref_slice %arg2[%add3A_31] : memref<16777216xf32, #tpu.memory_space<hbm>> -> memref<16384xf32, #tpu.memory_space<hbm>>
      tpu.wait_dma2 semaphore(%arg8 : memref<!tpu.dma_semaphore, #tpu.memory_space<semaphore_mem>>) src(%dma_wait3A_33 : memref<16384xf32, #tpu.memory_space<hbm>>) dst(%arg4 : memref<16384xf32, #tpu.memory_space<vmem>>)
      %ge3A = arith.constant 2 : i32
      %ge3A_34 = arith.cmpi sge, %add3A_24, %ge3A : i32
      %convert_element_type3A_35 = arith.extui %ge3A_34 : i1 to i32
      %cond3A_36 = arith.constant 0 : i32
      %cond3A_37 = arith.cmpi ne, %convert_element_type3A_35, %cond3A_36 : i32
      scf.if %cond3A_37 {
        %sub3A = arith.constant 2 : i32
        %sub3A_79 = arith.subi %add3A_24, %sub3A : i32
        %mul3A_80 = arith.constant 16384 : i32
        %mul3A_81 = arith.muli %sub3A_79, %mul3A_80 : i32
        %add3A_82 = arith.addi %mul3A_2, %mul3A_81 : i32
        %dma_wait3A_83 = tpu.memref_slice %arg3[%add3A_82] : memref<16777216xf32, #tpu.memory_space<hbm>> -> memref<16384xf32, #tpu.memory_space<hbm>>
        %dma_wait3A_84 = tpu.memref_slice %arg3[%add3A_82] : memref<16777216xf32, #tpu.memory_space<hbm>> -> memref<16384xf32, #tpu.memory_space<hbm>>
        tpu.wait_dma2 semaphore(%arg10 : memref<!tpu.dma_semaphore, #tpu.memory_space<semaphore_mem>>) src(%arg6 : memref<16384xf32, #tpu.memory_space<vmem>>) dst(%dma_wait3A_84 : memref<16384xf32, #tpu.memory_space<hbm>>)
      } else {
      }
      %scan3A_38 = arith.constant 0 : i32
      %scan3A_39 = arith.constant 0 : i32
      %scan3A_40 = arith.constant 64 : i32
      %scan3A_41 = arith.addi %scan3A_39, %scan3A_40 : i32
      %scan3A_42 = arith.constant 1 : i32
      scf.for %scan3A_79 = %scan3A_39 to %scan3A_41 step %scan3A_42  : i32 {
        %mul3A_80 = arith.constant 256 : i32
        %mul3A_81 = arith.muli %scan3A_79, %mul3A_80 : i32
        %add3A_82 = arith.constant 0 : i32
        %add3A_83 = arith.addi %mul3A_81, %add3A_82 : i32
        %add3A_84 = arith.constant 128 : i32
        %add3A_85 = arith.addi %add3A_83, %add3A_84 : i32
        %get3A = arith.index_cast %add3A_83 : i32 to index
        %get3A_86 = tpu.vector_load %arg4[%get3A] {strides = array<i32>} : memref<16384xf32, #tpu.memory_space<vmem>>, vector<16xf32>,
        %get3A_87 = arith.index_cast %add3A_85 : i32 to index
        %get3A_88 = tpu.vector_load %arg4[%get3A_87] {strides = array<i32>} : memref<16384xf32, #tpu.memory_space<vmem>>, vector<16xf32>,
        %ge3A_89 = arith.cmpf oge, %get3A_86, %broadcast_in_dim3A_3 : vector<16xf32>
        %neg3A = arith.constant 0.000000e+00 : f32
        %neg3A_90 = vector.broadcast %neg3A : f32 to vector<16xf32>
        %neg3A_91 = arith.subf %neg3A_90, %get3A_86 : vector<16xf32>
        %gt3A = arith.cmpf ogt, %get3A_88, %neg3A_91 : vector<16xf32>
        %or3A = arith.ori %ge3A_89, %gt3A : vector<16xi1>
        %select_n3A = arith.select %or3A, %get3A_86, %broadcast_in_dim3A_3 : vector<16xi1>, vector<16xf32>
        %ge3A_92 = arith.cmpf oge, %get3A_86, %broadcast_in_dim3A_3 : vector<16xf32>
        %max3A = arith.maximumf %get3A_88, %broadcast_in_dim3A_3 : vector<16xf32>
        %select_n3A_93 = arith.select %ge3A_92, %get3A_88, %max3A : vector<16xi1>, vector<16xf32>
        %swap3A = arith.index_cast %add3A_83 : i32 to index
        %swap3A_94 = tpu.vector_load %arg6[%swap3A] {strides = array<i32>} : memref<16384xf32, #tpu.memory_space<vmem>>, vector<16xf32>,
        tpu.vector_store %arg6[%swap3A], %select_n3A {strides = array<i32>} : memref<16384xf32, #tpu.memory_space<vmem>>, vector<16xf32>,
        %swap3A_95 = arith.index_cast %add3A_85 : i32 to index
        %swap3A_96 = tpu.vector_load %arg6[%swap3A_95] {strides = array<i32>} : memref<16384xf32, #tpu.memory_space<vmem>>, vector<16xf32>,
        tpu.vector_store %arg6[%swap3A_95], %select_n3A_93 {strides = array<i32>} : memref<16384xf32, #tpu.memory_space<vmem>>, vector<16xf32>,
        %add3A_97 = arith.constant 16 : i32
        %add3A_98 = arith.addi %mul3A_81, %add3A_97 : i32
        %add3A_99 = arith.constant 128 : i32
        %add3A_100 = arith.addi %add3A_98, %add3A_99 : i32
        %get3A_101 = arith.index_cast %add3A_98 : i32 to index
        %get3A_102 = tpu.vector_load %arg4[%get3A_101] {strides = array<i32>} : memref<16384xf32, #tpu.memory_space<vmem>>, vector<16xf32>,
        %get3A_103 = arith.index_cast %add3A_100 : i32 to index
        %get3A_104 = tpu.vector_load %arg4[%get3A_103] {strides = array<i32>} : memref<16384xf32, #tpu.memory_space<vmem>>, vector<16xf32>,
        %ge3A_105 = arith.cmpf oge, %get3A_102, %broadcast_in_dim3A_3 : vector<16xf32>
        %neg3A_106 = arith.constant 0.000000e+00 : f32
        %neg3A_107 = vector.broadcast %neg3A_106 : f32 to vector<16xf32>
        %neg3A_108 = arith.subf %neg3A_107, %get3A_102 : vector<16xf32>
        %gt3A_109 = arith.cmpf ogt, %get3A_104, %neg3A_108 : vector<16xf32>
        %or3A_110 = arith.ori %ge3A_105, %gt3A_109 : vector<16xi1>
        %select_n3A_111 = arith.select %or3A_110, %get3A_102, %broadcast_in_dim3A_3 : vector<16xi1>, vector<16xf32>
        %ge3A_112 = arith.cmpf oge, %get3A_102, %broadcast_in_dim3A_3 : vector<16xf32>
        %max3A_113 = arith.maximumf %get3A_104, %broadcast_in_dim3A_3 : vector<16xf32>
        %select_n3A_114 = arith.select %ge3A_112, %get3A_104, %max3A_113 : vector<16xi1>, vector<16xf32>
        %swap3A_115 = arith.index_cast %add3A_98 : i32 to index
        %swap3A_116 = tpu.vector_load %arg6[%swap3A_115] {strides = array<i32>} : memref<16384xf32, #tpu.memory_space<vmem>>, vector<16xf32>,
        tpu.vector_store %arg6[%swap3A_115], %select_n3A_111 {strides = array<i32>} : memref<16384xf32, #tpu.memory_space<vmem>>, vector<16xf32>,
        %swap3A_117 = arith.index_cast %add3A_100 : i32 to index
        %swap3A_118 = tpu.vector_load %arg6[%swap3A_117] {strides = array<i32>} : memref<16384xf32, #tpu.memory_space<vmem>>, vector<16xf32>,
        tpu.vector_store %arg6[%swap3A_117], %select_n3A_114 {strides = array<i32>} : memref<16384xf32, #tpu.memory_space<vmem>>, vector<16xf32>,
        %add3A_119 = arith.constant 32 : i32
        %add3A_120 = arith.addi %mul3A_81, %add3A_119 : i32
        %add3A_121 = arith.constant 128 : i32
        %add3A_122 = arith.addi %add3A_120, %add3A_121 : i32
        %get3A_123 = arith.index_cast %add3A_120 : i32 to index
        %get3A_124 = tpu.vector_load %arg4[%get3A_123] {strides = array<i32>} : memref<16384xf32, #tpu.memory_space<vmem>>, vector<16xf32>,
        %get3A_125 = arith.index_cast %add3A_122 : i32 to index
        %get3A_126 = tpu.vector_load %arg4[%get3A_125] {strides = array<i32>} : memref<16384xf32, #tpu.memory_space<vmem>>, vector<16xf32>,
        %ge3A_127 = arith.cmpf oge, %get3A_124, %broadcast_in_dim3A_3 : vector<16xf32>
        %neg3A_128 = arith.constant 0.000000e+00 : f32
        %neg3A_129 = vector.broadcast %neg3A_128 : f32 to vector<16xf32>
        %neg3A_130 = arith.subf %neg3A_129, %get3A_124 : vector<16xf32>
        %gt3A_131 = arith.cmpf ogt, %get3A_126, %neg3A_130 : vector<16xf32>
        %or3A_132 = arith.ori %ge3A_127, %gt3A_131 : vector<16xi1>
        %select_n3A_133 = arith.select %or3A_132, %get3A_124, %broadcast_in_dim3A_3 : vector<16xi1>, vector<16xf32>
        %ge3A_134 = arith.cmpf oge, %get3A_124, %broadcast_in_dim3A_3 : vector<16xf32>
        %max3A_135 = arith.maximumf %get3A_126, %broadcast_in_dim3A_3 : vector<16xf32>
        %select_n3A_136 = arith.select %ge3A_134, %get3A_126, %max3A_135 : vector<16xi1>, vector<16xf32>
        %swap3A_137 = arith.index_cast %add3A_120 : i32 to index
        %swap3A_138 = tpu.vector_load %arg6[%swap3A_137] {strides = array<i32>} : memref<16384xf32, #tpu.memory_space<vmem>>, vector<16xf32>,
        tpu.vector_store %arg6[%swap3A_137], %select_n3A_133 {strides = array<i32>} : memref<16384xf32, #tpu.memory_space<vmem>>, vector<16xf32>,
        %swap3A_139 = arith.index_cast %add3A_122 : i32 to index
        %swap3A_140 = tpu.vector_load %arg6[%swap3A_139] {strides = array<i32>} : memref<16384xf32, #tpu.memory_space<vmem>>, vector<16xf32>,
        tpu.vector_store %arg6[%swap3A_139], %select_n3A_136 {strides = array<i32>} : memref<16384xf32, #tpu.memory_space<vmem>>, vector<16xf32>,
        %add3A_141 = arith.constant 48 : i32
        %add3A_142 = arith.addi %mul3A_81, %add3A_141 : i32
        %add3A_143 = arith.constant 128 : i32
        %add3A_144 = arith.addi %add3A_142, %add3A_143 : i32
        %get3A_145 = arith.index_cast %add3A_142 : i32 to index
        %get3A_146 = tpu.vector_load %arg4[%get3A_145] {strides = array<i32>} : memref<16384xf32, #tpu.memory_space<vmem>>, vector<16xf32>,
        %get3A_147 = arith.index_cast %add3A_144 : i32 to index
        %get3A_148 = tpu.vector_load %arg4[%get3A_147] {strides = array<i32>} : memref<16384xf32, #tpu.memory_space<vmem>>, vector<16xf32>,
        %ge3A_149 = arith.cmpf oge, %get3A_146, %broadcast_in_dim3A_3 : vector<16xf32>
        %neg3A_150 = arith.constant 0.000000e+00 : f32
        %neg3A_151 = vector.broadcast %neg3A_150 : f32 to vector<16xf32>
        %neg3A_152 = arith.subf %neg3A_151, %get3A_146 : vector<16xf32>
        %gt3A_153 = arith.cmpf ogt, %get3A_148, %neg3A_152 : vector<16xf32>
        %or3A_154 = arith.ori %ge3A_149, %gt3A_153 : vector<16xi1>
        %select_n3A_155 = arith.select %or3A_154, %get3A_146, %broadcast_in_dim3A_3 : vector<16xi1>, vector<16xf32>
        %ge3A_156 = arith.cmpf oge, %get3A_146, %broadcast_in_dim3A_3 : vector<16xf32>
        %max3A_157 = arith.maximumf %get3A_148, %broadcast_in_dim3A_3 : vector<16xf32>
        %select_n3A_158 = arith.select %ge3A_156, %get3A_148, %max3A_157 : vector<16xi1>, vector<16xf32>
        %swap3A_159 = arith.index_cast %add3A_142 : i32 to index
        %swap3A_160 = tpu.vector_load %arg6[%swap3A_159] {strides = array<i32>} : memref<16384xf32, #tpu.memory_space<vmem>>, vector<16xf32>,
        tpu.vector_store %arg6[%swap3A_159], %select_n3A_155 {strides = array<i32>} : memref<16384xf32, #tpu.memory_space<vmem>>, vector<16xf32>,
        %swap3A_161 = arith.index_cast %add3A_144 : i32 to index
        %swap3A_162 = tpu.vector_load %arg6[%swap3A_161] {strides = array<i32>} : memref<16384xf32, #tpu.memory_space<vmem>>, vector<16xf32>,
        tpu.vector_store %arg6[%swap3A_161], %select_n3A_158 {strides = array<i32>} : memref<16384xf32, #tpu.memory_space<vmem>>, vector<16xf32>,
        %add3A_163 = arith.constant 64 : i32
        %add3A_164 = arith.addi %mul3A_81, %add3A_163 : i32
        %add3A_165 = arith.constant 128 : i32
        %add3A_166 = arith.addi %add3A_164, %add3A_165 : i32
        %get3A_167 = arith.index_cast %add3A_164 : i32 to index
        %get3A_168 = tpu.vector_load %arg4[%get3A_167] {strides = array<i32>} : memref<16384xf32, #tpu.memory_space<vmem>>, vector<16xf32>,
        %get3A_169 = arith.index_cast %add3A_166 : i32 to index
        %get3A_170 = tpu.vector_load %arg4[%get3A_169] {strides = array<i32>} : memref<16384xf32, #tpu.memory_space<vmem>>, vector<16xf32>,
        %ge3A_171 = arith.cmpf oge, %get3A_168, %broadcast_in_dim3A_3 : vector<16xf32>
        %neg3A_172 = arith.constant 0.000000e+00 : f32
        %neg3A_173 = vector.broadcast %neg3A_172 : f32 to vector<16xf32>
        %neg3A_174 = arith.subf %neg3A_173, %get3A_168 : vector<16xf32>
        %gt3A_175 = arith.cmpf ogt, %get3A_170, %neg3A_174 : vector<16xf32>
        %or3A_176 = arith.ori %ge3A_171, %gt3A_175 : vector<16xi1>
        %select_n3A_177 = arith.select %or3A_176, %get3A_168, %broadcast_in_dim3A_3 : vector<16xi1>, vector<16xf32>
        %ge3A_178 = arith.cmpf oge, %get3A_168, %broadcast_in_dim3A_3 : vector<16xf32>
        %max3A_179 = arith.maximumf %get3A_170, %broadcast_in_dim3A_3 : vector<16xf32>
        %select_n3A_180 = arith.select %ge3A_178, %get3A_170, %max3A_179 : vector<16xi1>, vector<16xf32>
        %swap3A_181 = arith.index_cast %add3A_164 : i32 to index
        %swap3A_182 = tpu.vector_load %arg6[%swap3A_181] {strides = array<i32>} : memref<16384xf32, #tpu.memory_space<vmem>>, vector<16xf32>,
        tpu.vector_store %arg6[%swap3A_181], %select_n3A_177 {strides = array<i32>} : memref<16384xf32, #tpu.memory_space<vmem>>, vector<16xf32>,
        %swap3A_183 = arith.index_cast %add3A_166 : i32 to index
        %swap3A_184 = tpu.vector_load %arg6[%swap3A_183] {strides = array<i32>} : memref<16384xf32, #tpu.memory_space<vmem>>, vector<16xf32>,
        tpu.vector_store %arg6[%swap3A_183], %select_n3A_180 {strides = array<i32>} : memref<16384xf32, #tpu.memory_space<vmem>>, vector<16xf32>,
        %add3A_185 = arith.constant 80 : i32
        %add3A_186 = arith.addi %mul3A_81, %add3A_185 : i32
        %add3A_187 = arith.constant 128 : i32
        %add3A_188 = arith.addi %add3A_186, %add3A_187 : i32
        %get3A_189 = arith.index_cast %add3A_186 : i32 to index
        %get3A_190 = tpu.vector_load %arg4[%get3A_189] {strides = array<i32>} : memref<16384xf32, #tpu.memory_space<vmem>>, vector<16xf32>,
        %get3A_191 = arith.index_cast %add3A_188 : i32 to index
        %get3A_192 = tpu.vector_load %arg4[%get3A_191] {strides = array<i32>} : memref<16384xf32, #tpu.memory_space<vmem>>, vector<16xf32>,
        %ge3A_193 = arith.cmpf oge, %get3A_190, %broadcast_in_dim3A_3 : vector<16xf32>
        %neg3A_194 = arith.constant 0.000000e+00 : f32
        %neg3A_195 = vector.broadcast %neg3A_194 : f32 to vector<16xf32>
        %neg3A_196 = arith.subf %neg3A_195, %get3A_190 : vector<16xf32>
        %gt3A_197 = arith.cmpf ogt, %get3A_192, %neg3A_196 : vector<16xf32>
        %or3A_198 = arith.ori %ge3A_193, %gt3A_197 : vector<16xi1>
        %select_n3A_199 = arith.select %or3A_198, %get3A_190, %broadcast_in_dim3A_3 : vector<16xi1>, vector<16xf32>
        %ge3A_200 = arith.cmpf oge, %get3A_190, %broadcast_in_dim3A_3 : vector<16xf32>
        %max3A_201 = arith.maximumf %get3A_192, %broadcast_in_dim3A_3 : vector<16xf32>
        %select_n3A_202 = arith.select %ge3A_200, %get3A_192, %max3A_201 : vector<16xi1>, vector<16xf32>
        %swap3A_203 = arith.index_cast %add3A_186 : i32 to index
        %swap3A_204 = tpu.vector_load %arg6[%swap3A_203] {strides = array<i32>} : memref<16384xf32, #tpu.memory_space<vmem>>, vector<16xf32>,
        tpu.vector_store %arg6[%swap3A_203], %select_n3A_199 {strides = array<i32>} : memref<16384xf32, #tpu.memory_space<vmem>>, vector<16xf32>,
        %swap3A_205 = arith.index_cast %add3A_188 : i32 to index
        %swap3A_206 = tpu.vector_load %arg6[%swap3A_205] {strides = array<i32>} : memref<16384xf32, #tpu.memory_space<vmem>>, vector<16xf32>,
        tpu.vector_store %arg6[%swap3A_205], %select_n3A_202 {strides = array<i32>} : memref<16384xf32, #tpu.memory_space<vmem>>, vector<16xf32>,
        %add3A_207 = arith.constant 96 : i32
        %add3A_208 = arith.addi %mul3A_81, %add3A_207 : i32
        %add3A_209 = arith.constant 128 : i32
        %add3A_210 = arith.addi %add3A_208, %add3A_209 : i32
        %get3A_211 = arith.index_cast %add3A_208 : i32 to index
        %get3A_212 = tpu.vector_load %arg4[%get3A_211] {strides = array<i32>} : memref<16384xf32, #tpu.memory_space<vmem>>, vector<16xf32>,
        %get3A_213 = arith.index_cast %add3A_210 : i32 to index
        %get3A_214 = tpu.vector_load %arg4[%get3A_213] {strides = array<i32>} : memref<16384xf32, #tpu.memory_space<vmem>>, vector<16xf32>,
        %ge3A_215 = arith.cmpf oge, %get3A_212, %broadcast_in_dim3A_3 : vector<16xf32>
        %neg3A_216 = arith.constant 0.000000e+00 : f32
        %neg3A_217 = vector.broadcast %neg3A_216 : f32 to vector<16xf32>
        %neg3A_218 = arith.subf %neg3A_217, %get3A_212 : vector<16xf32>
        %gt3A_219 = arith.cmpf ogt, %get3A_214, %neg3A_218 : vector<16xf32>
        %or3A_220 = arith.ori %ge3A_215, %gt3A_219 : vector<16xi1>
        %select_n3A_221 = arith.select %or3A_220, %get3A_212, %broadcast_in_dim3A_3 : vector<16xi1>, vector<16xf32>
        %ge3A_222 = arith.cmpf oge, %get3A_212, %broadcast_in_dim3A_3 : vector<16xf32>
        %max3A_223 = arith.maximumf %get3A_214, %broadcast_in_dim3A_3 : vector<16xf32>
        %select_n3A_224 = arith.select %ge3A_222, %get3A_214, %max3A_223 : vector<16xi1>, vector<16xf32>
        %swap3A_225 = arith.index_cast %add3A_208 : i32 to index
        %swap3A_226 = tpu.vector_load %arg6[%swap3A_225] {strides = array<i32>} : memref<16384xf32, #tpu.memory_space<vmem>>, vector<16xf32>,
        tpu.vector_store %arg6[%swap3A_225], %select_n3A_221 {strides = array<i32>} : memref<16384xf32, #tpu.memory_space<vmem>>, vector<16xf32>,
        %swap3A_227 = arith.index_cast %add3A_210 : i32 to index
        %swap3A_228 = tpu.vector_load %arg6[%swap3A_227] {strides = array<i32>} : memref<16384xf32, #tpu.memory_space<vmem>>, vector<16xf32>,
        tpu.vector_store %arg6[%swap3A_227], %select_n3A_224 {strides = array<i32>} : memref<16384xf32, #tpu.memory_space<vmem>>, vector<16xf32>,
        %add3A_229 = arith.constant 112 : i32
        %add3A_230 = arith.addi %mul3A_81, %add3A_229 : i32
        %add3A_231 = arith.constant 128 : i32
        %add3A_232 = arith.addi %add3A_230, %add3A_231 : i32
        %get3A_233 = arith.index_cast %add3A_230 : i32 to index
        %get3A_234 = tpu.vector_load %arg4[%get3A_233] {strides = array<i32>} : memref<16384xf32, #tpu.memory_space<vmem>>, vector<16xf32>,
        %get3A_235 = arith.index_cast %add3A_232 : i32 to index
        %get3A_236 = tpu.vector_load %arg4[%get3A_235] {strides = array<i32>} : memref<16384xf32, #tpu.memory_space<vmem>>, vector<16xf32>,
        %ge3A_237 = arith.cmpf oge, %get3A_234, %broadcast_in_dim3A_3 : vector<16xf32>
        %neg3A_238 = arith.constant 0.000000e+00 : f32
        %neg3A_239 = vector.broadcast %neg3A_238 : f32 to vector<16xf32>
        %neg3A_240 = arith.subf %neg3A_239, %get3A_234 : vector<16xf32>
        %gt3A_241 = arith.cmpf ogt, %get3A_236, %neg3A_240 : vector<16xf32>
        %or3A_242 = arith.ori %ge3A_237, %gt3A_241 : vector<16xi1>
        %select_n3A_243 = arith.select %or3A_242, %get3A_234, %broadcast_in_dim3A_3 : vector<16xi1>, vector<16xf32>
        %ge3A_244 = arith.cmpf oge, %get3A_234, %broadcast_in_dim3A_3 : vector<16xf32>
        %max3A_245 = arith.maximumf %get3A_236, %broadcast_in_dim3A_3 : vector<16xf32>
        %select_n3A_246 = arith.select %ge3A_244, %get3A_236, %max3A_245 : vector<16xi1>, vector<16xf32>
        %swap3A_247 = arith.index_cast %add3A_230 : i32 to index
        %swap3A_248 = tpu.vector_load %arg6[%swap3A_247] {strides = array<i32>} : memref<16384xf32, #tpu.memory_space<vmem>>, vector<16xf32>,
        tpu.vector_store %arg6[%swap3A_247], %select_n3A_243 {strides = array<i32>} : memref<16384xf32, #tpu.memory_space<vmem>>, vector<16xf32>,
        %swap3A_249 = arith.index_cast %add3A_232 : i32 to index
        %swap3A_250 = tpu.vector_load %arg6[%swap3A_249] {strides = array<i32>} : memref<16384xf32, #tpu.memory_space<vmem>>, vector<16xf32>,
        tpu.vector_store %arg6[%swap3A_249], %select_n3A_246 {strides = array<i32>} : memref<16384xf32, #tpu.memory_space<vmem>>, vector<16xf32>,
      }
      %scan3A_43 = arith.constant 64 : i32
      %mul3A_44 = arith.constant 16384 : i32
      %mul3A_45 = arith.muli %add3A_24, %mul3A_44 : i32
      %add3A_46 = arith.addi %mul3A_2, %mul3A_45 : i32
      %dma_start3A_47 = tpu.memref_slice %arg3[%add3A_46] : memref<16777216xf32, #tpu.memory_space<hbm>> -> memref<16384xf32, #tpu.memory_space<hbm>>
      %dma_start3A_48 = tpu.memref_slice %arg3[%add3A_46] : memref<16777216xf32, #tpu.memory_space<hbm>> -> memref<16384xf32, #tpu.memory_space<hbm>>
      tpu.enqueue_dma source(%arg6 : memref<16384xf32, #tpu.memory_space<vmem>>) target(%dma_start3A_48 : memref<16384xf32, #tpu.memory_space<hbm>>) target_semaphore(%arg10 : memref<!tpu.dma_semaphore, #tpu.memory_space<semaphore_mem>>)
      %add3A_49 = arith.constant 1 : i32
      %add3A_50 = arith.addi %add3A_22, %add3A_49 : i32
      %add3A_51 = arith.constant 1 : i32
      %add3A_52 = arith.addi %add3A_50, %add3A_51 : i32
      %lt3A_53 = arith.constant 32 : i32
      %lt3A_54 = arith.cmpi slt, %add3A_52, %lt3A_53 : i32
      %convert_element_type3A_55 = arith.extui %lt3A_54 : i1 to i32
      %cond3A_56 = arith.constant 0 : i32
      %cond3A_57 = arith.cmpi ne, %convert_element_type3A_55, %cond3A_56 : i32
      scf.if %cond3A_57 {
        %add3A_79 = arith.constant 1 : i32
        %add3A_80 = arith.addi %add3A_50, %add3A_79 : i32
        %mul3A_81 = arith.constant 16384 : i32
        %mul3A_82 = arith.muli %add3A_80, %mul3A_81 : i32
        %add3A_83 = arith.addi %mul3A_2, %mul3A_82 : i32
        %dma_start3A_84 = tpu.memref_slice %arg2[%add3A_83] : memref<16777216xf32, #tpu.memory_space<hbm>> -> memref<16384xf32, #tpu.memory_space<hbm>>
        %dma_start3A_85 = tpu.memref_slice %arg2[%add3A_83] : memref<16777216xf32, #tpu.memory_space<hbm>> -> memref<16384xf32, #tpu.memory_space<hbm>>
        tpu.enqueue_dma source(%dma_start3A_85 : memref<16384xf32, #tpu.memory_space<hbm>>) target(%arg4 : memref<16384xf32, #tpu.memory_space<vmem>>) target_semaphore(%arg8 : memref<!tpu.dma_semaphore, #tpu.memory_space<semaphore_mem>>)
      } else {
      }
      %mul3A_58 = arith.constant 16384 : i32
      %mul3A_59 = arith.muli %add3A_50, %mul3A_58 : i32
      %add3A_60 = arith.addi %mul3A_2, %mul3A_59 : i32
      %dma_wait3A_61 = tpu.memref_slice %arg2[%add3A_60] : memref<16777216xf32, #tpu.memory_space<hbm>> -> memref<16384xf32, #tpu.memory_space<hbm>>
      %dma_wait3A_62 = tpu.memref_slice %arg2[%add3A_60] : memref<16777216xf32, #tpu.memory_space<hbm>> -> memref<16384xf32, #tpu.memory_space<hbm>>
      tpu.wait_dma2 semaphore(%arg9 : memref<!tpu.dma_semaphore, #tpu.memory_space<semaphore_mem>>) src(%dma_wait3A_62 : memref<16384xf32, #tpu.memory_space<hbm>>) dst(%arg5 : memref<16384xf32, #tpu.memory_space<vmem>>)
      %ge3A_63 = arith.constant 2 : i32
      %ge3A_64 = arith.cmpi sge, %add3A_50, %ge3A_63 : i32
      %convert_element_type3A_65 = arith.extui %ge3A_64 : i1 to i32
      %cond3A_66 = arith.constant 0 : i32
      %cond3A_67 = arith.cmpi ne, %convert_element_type3A_65, %cond3A_66 : i32
      scf.if %cond3A_67 {
        %sub3A = arith.constant 2 : i32
        %sub3A_79 = arith.subi %add3A_50, %sub3A : i32
        %mul3A_80 = arith.constant 16384 : i32
        %mul3A_81 = arith.muli %sub3A_79, %mul3A_80 : i32
        %add3A_82 = arith.addi %mul3A_2, %mul3A_81 : i32
        %dma_wait3A_83 = tpu.memref_slice %arg3[%add3A_82] : memref<16777216xf32, #tpu.memory_space<hbm>> -> memref<16384xf32, #tpu.memory_space<hbm>>
        %dma_wait3A_84 = tpu.memref_slice %arg3[%add3A_82] : memref<16777216xf32, #tpu.memory_space<hbm>> -> memref<16384xf32, #tpu.memory_space<hbm>>
        tpu.wait_dma2 semaphore(%arg11 : memref<!tpu.dma_semaphore, #tpu.memory_space<semaphore_mem>>) src(%arg7 : memref<16384xf32, #tpu.memory_space<vmem>>) dst(%dma_wait3A_84 : memref<16384xf32, #tpu.memory_space<hbm>>)
      } else {
      }
      %scan3A_68 = arith.constant 0 : i32
      %scan3A_69 = arith.constant 0 : i32
      %scan3A_70 = arith.constant 64 : i32
      %scan3A_71 = arith.addi %scan3A_69, %scan3A_70 : i32
      %scan3A_72 = arith.constant 1 : i32
      scf.for %scan3A_79 = %scan3A_69 to %scan3A_71 step %scan3A_72  : i32 {
        %mul3A_80 = arith.constant 256 : i32
        %mul3A_81 = arith.muli %scan3A_79, %mul3A_80 : i32
        %add3A_82 = arith.constant 0 : i32
        %add3A_83 = arith.addi %mul3A_81, %add3A_82 : i32
        %add3A_84 = arith.constant 128 : i32
        %add3A_85 = arith.addi %add3A_83, %add3A_84 : i32
        %get3A = arith.index_cast %add3A_83 : i32 to index
        %get3A_86 = tpu.vector_load %arg5[%get3A] {strides = array<i32>} : memref<16384xf32, #tpu.memory_space<vmem>>, vector<16xf32>,
        %get3A_87 = arith.index_cast %add3A_85 : i32 to index
        %get3A_88 = tpu.vector_load %arg5[%get3A_87] {strides = array<i32>} : memref<16384xf32, #tpu.memory_space<vmem>>, vector<16xf32>,
        %ge3A_89 = arith.cmpf oge, %get3A_86, %broadcast_in_dim3A_3 : vector<16xf32>
        %neg3A = arith.constant 0.000000e+00 : f32
        %neg3A_90 = vector.broadcast %neg3A : f32 to vector<16xf32>
        %neg3A_91 = arith.subf %neg3A_90, %get3A_86 : vector<16xf32>
        %gt3A = arith.cmpf ogt, %get3A_88, %neg3A_91 : vector<16xf32>
        %or3A = arith.ori %ge3A_89, %gt3A : vector<16xi1>
        %select_n3A = arith.select %or3A, %get3A_86, %broadcast_in_dim3A_3 : vector<16xi1>, vector<16xf32>
        %ge3A_92 = arith.cmpf oge, %get3A_86, %broadcast_in_dim3A_3 : vector<16xf32>
        %max3A = arith.maximumf %get3A_88, %broadcast_in_dim3A_3 : vector<16xf32>
        %select_n3A_93 = arith.select %ge3A_92, %get3A_88, %max3A : vector<16xi1>, vector<16xf32>
        %swap3A = arith.index_cast %add3A_83 : i32 to index
        %swap3A_94 = tpu.vector_load %arg7[%swap3A] {strides = array<i32>} : memref<16384xf32, #tpu.memory_space<vmem>>, vector<16xf32>,
        tpu.vector_store %arg7[%swap3A], %select_n3A {strides = array<i32>} : memref<16384xf32, #tpu.memory_space<vmem>>, vector<16xf32>,
        %swap3A_95 = arith.index_cast %add3A_85 : i32 to index
        %swap3A_96 = tpu.vector_load %arg7[%swap3A_95] {strides = array<i32>} : memref<16384xf32, #tpu.memory_space<vmem>>, vector<16xf32>,
        tpu.vector_store %arg7[%swap3A_95], %select_n3A_93 {strides = array<i32>} : memref<16384xf32, #tpu.memory_space<vmem>>, vector<16xf32>,
        %add3A_97 = arith.constant 16 : i32
        %add3A_98 = arith.addi %mul3A_81, %add3A_97 : i32
        %add3A_99 = arith.constant 128 : i32
        %add3A_100 = arith.addi %add3A_98, %add3A_99 : i32
        %get3A_101 = arith.index_cast %add3A_98 : i32 to index
        %get3A_102 = tpu.vector_load %arg5[%get3A_101] {strides = array<i32>} : memref<16384xf32, #tpu.memory_space<vmem>>, vector<16xf32>,
        %get3A_103 = arith.index_cast %add3A_100 : i32 to index
        %get3A_104 = tpu.vector_load %arg5[%get3A_103] {strides = array<i32>} : memref<16384xf32, #tpu.memory_space<vmem>>, vector<16xf32>,
        %ge3A_105 = arith.cmpf oge, %get3A_102, %broadcast_in_dim3A_3 : vector<16xf32>
        %neg3A_106 = arith.constant 0.000000e+00 : f32
        %neg3A_107 = vector.broadcast %neg3A_106 : f32 to vector<16xf32>
        %neg3A_108 = arith.subf %neg3A_107, %get3A_102 : vector<16xf32>
        %gt3A_109 = arith.cmpf ogt, %get3A_104, %neg3A_108 : vector<16xf32>
        %or3A_110 = arith.ori %ge3A_105, %gt3A_109 : vector<16xi1>
        %select_n3A_111 = arith.select %or3A_110, %get3A_102, %broadcast_in_dim3A_3 : vector<16xi1>, vector<16xf32>
        %ge3A_112 = arith.cmpf oge, %get3A_102, %broadcast_in_dim3A_3 : vector<16xf32>
        %max3A_113 = arith.maximumf %get3A_104, %broadcast_in_dim3A_3 : vector<16xf32>
        %select_n3A_114 = arith.select %ge3A_112, %get3A_104, %max3A_113 : vector<16xi1>, vector<16xf32>
        %swap3A_115 = arith.index_cast %add3A_98 : i32 to index
        %swap3A_116 = tpu.vector_load %arg7[%swap3A_115] {strides = array<i32>} : memref<16384xf32, #tpu.memory_space<vmem>>, vector<16xf32>,
        tpu.vector_store %arg7[%swap3A_115], %select_n3A_111 {strides = array<i32>} : memref<16384xf32, #tpu.memory_space<vmem>>, vector<16xf32>,
        %swap3A_117 = arith.index_cast %add3A_100 : i32 to index
        %swap3A_118 = tpu.vector_load %arg7[%swap3A_117] {strides = array<i32>} : memref<16384xf32, #tpu.memory_space<vmem>>, vector<16xf32>,
        tpu.vector_store %arg7[%swap3A_117], %select_n3A_114 {strides = array<i32>} : memref<16384xf32, #tpu.memory_space<vmem>>, vector<16xf32>,
        %add3A_119 = arith.constant 32 : i32
        %add3A_120 = arith.addi %mul3A_81, %add3A_119 : i32
        %add3A_121 = arith.constant 128 : i32
        %add3A_122 = arith.addi %add3A_120, %add3A_121 : i32
        %get3A_123 = arith.index_cast %add3A_120 : i32 to index
        %get3A_124 = tpu.vector_load %arg5[%get3A_123] {strides = array<i32>} : memref<16384xf32, #tpu.memory_space<vmem>>, vector<16xf32>,
        %get3A_125 = arith.index_cast %add3A_122 : i32 to index
        %get3A_126 = tpu.vector_load %arg5[%get3A_125] {strides = array<i32>} : memref<16384xf32, #tpu.memory_space<vmem>>, vector<16xf32>,
        %ge3A_127 = arith.cmpf oge, %get3A_124, %broadcast_in_dim3A_3 : vector<16xf32>
        %neg3A_128 = arith.constant 0.000000e+00 : f32
        %neg3A_129 = vector.broadcast %neg3A_128 : f32 to vector<16xf32>
        %neg3A_130 = arith.subf %neg3A_129, %get3A_124 : vector<16xf32>
        %gt3A_131 = arith.cmpf ogt, %get3A_126, %neg3A_130 : vector<16xf32>
        %or3A_132 = arith.ori %ge3A_127, %gt3A_131 : vector<16xi1>
        %select_n3A_133 = arith.select %or3A_132, %get3A_124, %broadcast_in_dim3A_3 : vector<16xi1>, vector<16xf32>
        %ge3A_134 = arith.cmpf oge, %get3A_124, %broadcast_in_dim3A_3 : vector<16xf32>
        %max3A_135 = arith.maximumf %get3A_126, %broadcast_in_dim3A_3 : vector<16xf32>
        %select_n3A_136 = arith.select %ge3A_134, %get3A_126, %max3A_135 : vector<16xi1>, vector<16xf32>
        %swap3A_137 = arith.index_cast %add3A_120 : i32 to index
        %swap3A_138 = tpu.vector_load %arg7[%swap3A_137] {strides = array<i32>} : memref<16384xf32, #tpu.memory_space<vmem>>, vector<16xf32>,
        tpu.vector_store %arg7[%swap3A_137], %select_n3A_133 {strides = array<i32>} : memref<16384xf32, #tpu.memory_space<vmem>>, vector<16xf32>,
        %swap3A_139 = arith.index_cast %add3A_122 : i32 to index
        %swap3A_140 = tpu.vector_load %arg7[%swap3A_139] {strides = array<i32>} : memref<16384xf32, #tpu.memory_space<vmem>>, vector<16xf32>,
        tpu.vector_store %arg7[%swap3A_139], %select_n3A_136 {strides = array<i32>} : memref<16384xf32, #tpu.memory_space<vmem>>, vector<16xf32>,
        %add3A_141 = arith.constant 48 : i32
        %add3A_142 = arith.addi %mul3A_81, %add3A_141 : i32
        %add3A_143 = arith.constant 128 : i32
        %add3A_144 = arith.addi %add3A_142, %add3A_143 : i32
        %get3A_145 = arith.index_cast %add3A_142 : i32 to index
        %get3A_146 = tpu.vector_load %arg5[%get3A_145] {strides = array<i32>} : memref<16384xf32, #tpu.memory_space<vmem>>, vector<16xf32>,
        %get3A_147 = arith.index_cast %add3A_144 : i32 to index
        %get3A_148 = tpu.vector_load %arg5[%get3A_147] {strides = array<i32>} : memref<16384xf32, #tpu.memory_space<vmem>>, vector<16xf32>,
        %ge3A_149 = arith.cmpf oge, %get3A_146, %broadcast_in_dim3A_3 : vector<16xf32>
        %neg3A_150 = arith.constant 0.000000e+00 : f32
        %neg3A_151 = vector.broadcast %neg3A_150 : f32 to vector<16xf32>
        %neg3A_152 = arith.subf %neg3A_151, %get3A_146 : vector<16xf32>
        %gt3A_153 = arith.cmpf ogt, %get3A_148, %neg3A_152 : vector<16xf32>
        %or3A_154 = arith.ori %ge3A_149, %gt3A_153 : vector<16xi1>
        %select_n3A_155 = arith.select %or3A_154, %get3A_146, %broadcast_in_dim3A_3 : vector<16xi1>, vector<16xf32>
        %ge3A_156 = arith.cmpf oge, %get3A_146, %broadcast_in_dim3A_3 : vector<16xf32>
        %max3A_157 = arith.maximumf %get3A_148, %broadcast_in_dim3A_3 : vector<16xf32>
        %select_n3A_158 = arith.select %ge3A_156, %get3A_148, %max3A_157 : vector<16xi1>, vector<16xf32>
        %swap3A_159 = arith.index_cast %add3A_142 : i32 to index
        %swap3A_160 = tpu.vector_load %arg7[%swap3A_159] {strides = array<i32>} : memref<16384xf32, #tpu.memory_space<vmem>>, vector<16xf32>,
        tpu.vector_store %arg7[%swap3A_159], %select_n3A_155 {strides = array<i32>} : memref<16384xf32, #tpu.memory_space<vmem>>, vector<16xf32>,
        %swap3A_161 = arith.index_cast %add3A_144 : i32 to index
        %swap3A_162 = tpu.vector_load %arg7[%swap3A_161] {strides = array<i32>} : memref<16384xf32, #tpu.memory_space<vmem>>, vector<16xf32>,
        tpu.vector_store %arg7[%swap3A_161], %select_n3A_158 {strides = array<i32>} : memref<16384xf32, #tpu.memory_space<vmem>>, vector<16xf32>,
        %add3A_163 = arith.constant 64 : i32
        %add3A_164 = arith.addi %mul3A_81, %add3A_163 : i32
        %add3A_165 = arith.constant 128 : i32
        %add3A_166 = arith.addi %add3A_164, %add3A_165 : i32
        %get3A_167 = arith.index_cast %add3A_164 : i32 to index
        %get3A_168 = tpu.vector_load %arg5[%get3A_167] {strides = array<i32>} : memref<16384xf32, #tpu.memory_space<vmem>>, vector<16xf32>,
        %get3A_169 = arith.index_cast %add3A_166 : i32 to index
        %get3A_170 = tpu.vector_load %arg5[%get3A_169] {strides = array<i32>} : memref<16384xf32, #tpu.memory_space<vmem>>, vector<16xf32>,
        %ge3A_171 = arith.cmpf oge, %get3A_168, %broadcast_in_dim3A_3 : vector<16xf32>
        %neg3A_172 = arith.constant 0.000000e+00 : f32
        %neg3A_173 = vector.broadcast %neg3A_172 : f32 to vector<16xf32>
        %neg3A_174 = arith.subf %neg3A_173, %get3A_168 : vector<16xf32>
        %gt3A_175 = arith.cmpf ogt, %get3A_170, %neg3A_174 : vector<16xf32>
        %or3A_176 = arith.ori %ge3A_171, %gt3A_175 : vector<16xi1>
        %select_n3A_177 = arith.select %or3A_176, %get3A_168, %broadcast_in_dim3A_3 : vector<16xi1>, vector<16xf32>
        %ge3A_178 = arith.cmpf oge, %get3A_168, %broadcast_in_dim3A_3 : vector<16xf32>
        %max3A_179 = arith.maximumf %get3A_170, %broadcast_in_dim3A_3 : vector<16xf32>
        %select_n3A_180 = arith.select %ge3A_178, %get3A_170, %max3A_179 : vector<16xi1>, vector<16xf32>
        %swap3A_181 = arith.index_cast %add3A_164 : i32 to index
        %swap3A_182 = tpu.vector_load %arg7[%swap3A_181] {strides = array<i32>} : memref<16384xf32, #tpu.memory_space<vmem>>, vector<16xf32>,
        tpu.vector_store %arg7[%swap3A_181], %select_n3A_177 {strides = array<i32>} : memref<16384xf32, #tpu.memory_space<vmem>>, vector<16xf32>,
        %swap3A_183 = arith.index_cast %add3A_166 : i32 to index
        %swap3A_184 = tpu.vector_load %arg7[%swap3A_183] {strides = array<i32>} : memref<16384xf32, #tpu.memory_space<vmem>>, vector<16xf32>,
        tpu.vector_store %arg7[%swap3A_183], %select_n3A_180 {strides = array<i32>} : memref<16384xf32, #tpu.memory_space<vmem>>, vector<16xf32>,
        %add3A_185 = arith.constant 80 : i32
        %add3A_186 = arith.addi %mul3A_81, %add3A_185 : i32
        %add3A_187 = arith.constant 128 : i32
        %add3A_188 = arith.addi %add3A_186, %add3A_187 : i32
        %get3A_189 = arith.index_cast %add3A_186 : i32 to index
        %get3A_190 = tpu.vector_load %arg5[%get3A_189] {strides = array<i32>} : memref<16384xf32, #tpu.memory_space<vmem>>, vector<16xf32>,
        %get3A_191 = arith.index_cast %add3A_188 : i32 to index
        %get3A_192 = tpu.vector_load %arg5[%get3A_191] {strides = array<i32>} : memref<16384xf32, #tpu.memory_space<vmem>>, vector<16xf32>,
        %ge3A_193 = arith.cmpf oge, %get3A_190, %broadcast_in_dim3A_3 : vector<16xf32>
        %neg3A_194 = arith.constant 0.000000e+00 : f32
        %neg3A_195 = vector.broadcast %neg3A_194 : f32 to vector<16xf32>
        %neg3A_196 = arith.subf %neg3A_195, %get3A_190 : vector<16xf32>
        %gt3A_197 = arith.cmpf ogt, %get3A_192, %neg3A_196 : vector<16xf32>
        %or3A_198 = arith.ori %ge3A_193, %gt3A_197 : vector<16xi1>
        %select_n3A_199 = arith.select %or3A_198, %get3A_190, %broadcast_in_dim3A_3 : vector<16xi1>, vector<16xf32>
        %ge3A_200 = arith.cmpf oge, %get3A_190, %broadcast_in_dim3A_3 : vector<16xf32>
        %max3A_201 = arith.maximumf %get3A_192, %broadcast_in_dim3A_3 : vector<16xf32>
        %select_n3A_202 = arith.select %ge3A_200, %get3A_192, %max3A_201 : vector<16xi1>, vector<16xf32>
        %swap3A_203 = arith.index_cast %add3A_186 : i32 to index
        %swap3A_204 = tpu.vector_load %arg7[%swap3A_203] {strides = array<i32>} : memref<16384xf32, #tpu.memory_space<vmem>>, vector<16xf32>,
        tpu.vector_store %arg7[%swap3A_203], %select_n3A_199 {strides = array<i32>} : memref<16384xf32, #tpu.memory_space<vmem>>, vector<16xf32>,
        %swap3A_205 = arith.index_cast %add3A_188 : i32 to index
        %swap3A_206 = tpu.vector_load %arg7[%swap3A_205] {strides = array<i32>} : memref<16384xf32, #tpu.memory_space<vmem>>, vector<16xf32>,
        tpu.vector_store %arg7[%swap3A_205], %select_n3A_202 {strides = array<i32>} : memref<16384xf32, #tpu.memory_space<vmem>>, vector<16xf32>,
        %add3A_207 = arith.constant 96 : i32
        %add3A_208 = arith.addi %mul3A_81, %add3A_207 : i32
        %add3A_209 = arith.constant 128 : i32
        %add3A_210 = arith.addi %add3A_208, %add3A_209 : i32
        %get3A_211 = arith.index_cast %add3A_208 : i32 to index
        %get3A_212 = tpu.vector_load %arg5[%get3A_211] {strides = array<i32>} : memref<16384xf32, #tpu.memory_space<vmem>>, vector<16xf32>,
        %get3A_213 = arith.index_cast %add3A_210 : i32 to index
        %get3A_214 = tpu.vector_load %arg5[%get3A_213] {strides = array<i32>} : memref<16384xf32, #tpu.memory_space<vmem>>, vector<16xf32>,
        %ge3A_215 = arith.cmpf oge, %get3A_212, %broadcast_in_dim3A_3 : vector<16xf32>
        %neg3A_216 = arith.constant 0.000000e+00 : f32
        %neg3A_217 = vector.broadcast %neg3A_216 : f32 to vector<16xf32>
        %neg3A_218 = arith.subf %neg3A_217, %get3A_212 : vector<16xf32>
        %gt3A_219 = arith.cmpf ogt, %get3A_214, %neg3A_218 : vector<16xf32>
        %or3A_220 = arith.ori %ge3A_215, %gt3A_219 : vector<16xi1>
        %select_n3A_221 = arith.select %or3A_220, %get3A_212, %broadcast_in_dim3A_3 : vector<16xi1>, vector<16xf32>
        %ge3A_222 = arith.cmpf oge, %get3A_212, %broadcast_in_dim3A_3 : vector<16xf32>
        %max3A_223 = arith.maximumf %get3A_214, %broadcast_in_dim3A_3 : vector<16xf32>
        %select_n3A_224 = arith.select %ge3A_222, %get3A_214, %max3A_223 : vector<16xi1>, vector<16xf32>
        %swap3A_225 = arith.index_cast %add3A_208 : i32 to index
        %swap3A_226 = tpu.vector_load %arg7[%swap3A_225] {strides = array<i32>} : memref<16384xf32, #tpu.memory_space<vmem>>, vector<16xf32>,
        tpu.vector_store %arg7[%swap3A_225], %select_n3A_221 {strides = array<i32>} : memref<16384xf32, #tpu.memory_space<vmem>>, vector<16xf32>,
        %swap3A_227 = arith.index_cast %add3A_210 : i32 to index
        %swap3A_228 = tpu.vector_load %arg7[%swap3A_227] {strides = array<i32>} : memref<16384xf32, #tpu.memory_space<vmem>>, vector<16xf32>,
        tpu.vector_store %arg7[%swap3A_227], %select_n3A_224 {strides = array<i32>} : memref<16384xf32, #tpu.memory_space<vmem>>, vector<16xf32>,
        %add3A_229 = arith.constant 112 : i32
        %add3A_230 = arith.addi %mul3A_81, %add3A_229 : i32
        %add3A_231 = arith.constant 128 : i32
        %add3A_232 = arith.addi %add3A_230, %add3A_231 : i32
        %get3A_233 = arith.index_cast %add3A_230 : i32 to index
        %get3A_234 = tpu.vector_load %arg5[%get3A_233] {strides = array<i32>} : memref<16384xf32, #tpu.memory_space<vmem>>, vector<16xf32>,
        %get3A_235 = arith.index_cast %add3A_232 : i32 to index
        %get3A_236 = tpu.vector_load %arg5[%get3A_235] {strides = array<i32>} : memref<16384xf32, #tpu.memory_space<vmem>>, vector<16xf32>,
        %ge3A_237 = arith.cmpf oge, %get3A_234, %broadcast_in_dim3A_3 : vector<16xf32>
        %neg3A_238 = arith.constant 0.000000e+00 : f32
        %neg3A_239 = vector.broadcast %neg3A_238 : f32 to vector<16xf32>
        %neg3A_240 = arith.subf %neg3A_239, %get3A_234 : vector<16xf32>
        %gt3A_241 = arith.cmpf ogt, %get3A_236, %neg3A_240 : vector<16xf32>
        %or3A_242 = arith.ori %ge3A_237, %gt3A_241 : vector<16xi1>
        %select_n3A_243 = arith.select %or3A_242, %get3A_234, %broadcast_in_dim3A_3 : vector<16xi1>, vector<16xf32>
        %ge3A_244 = arith.cmpf oge, %get3A_234, %broadcast_in_dim3A_3 : vector<16xf32>
        %max3A_245 = arith.maximumf %get3A_236, %broadcast_in_dim3A_3 : vector<16xf32>
        %select_n3A_246 = arith.select %ge3A_244, %get3A_236, %max3A_245 : vector<16xi1>, vector<16xf32>
        %swap3A_247 = arith.index_cast %add3A_230 : i32 to index
        %swap3A_248 = tpu.vector_load %arg7[%swap3A_247] {strides = array<i32>} : memref<16384xf32, #tpu.memory_space<vmem>>, vector<16xf32>,
        tpu.vector_store %arg7[%swap3A_247], %select_n3A_243 {strides = array<i32>} : memref<16384xf32, #tpu.memory_space<vmem>>, vector<16xf32>,
        %swap3A_249 = arith.index_cast %add3A_232 : i32 to index
        %swap3A_250 = tpu.vector_load %arg7[%swap3A_249] {strides = array<i32>} : memref<16384xf32, #tpu.memory_space<vmem>>, vector<16xf32>,
        tpu.vector_store %arg7[%swap3A_249], %select_n3A_246 {strides = array<i32>} : memref<16384xf32, #tpu.memory_space<vmem>>, vector<16xf32>,
      }
      %scan3A_73 = arith.constant 64 : i32
      %mul3A_74 = arith.constant 16384 : i32
      %mul3A_75 = arith.muli %add3A_50, %mul3A_74 : i32
      %add3A_76 = arith.addi %mul3A_2, %mul3A_75 : i32
      %dma_start3A_77 = tpu.memref_slice %arg3[%add3A_76] : memref<16777216xf32, #tpu.memory_space<hbm>> -> memref<16384xf32, #tpu.memory_space<hbm>>
      %dma_start3A_78 = tpu.memref_slice %arg3[%add3A_76] : memref<16777216xf32, #tpu.memory_space<hbm>> -> memref<16384xf32, #tpu.memory_space<hbm>>
      tpu.enqueue_dma source(%arg7 : memref<16384xf32, #tpu.memory_space<vmem>>) target(%dma_start3A_78 : memref<16384xf32, #tpu.memory_space<hbm>>) target_semaphore(%arg11 : memref<!tpu.dma_semaphore, #tpu.memory_space<semaphore_mem>>)
    }
    %scan3A_10 = arith.constant 16 : i32
    %add3A_11 = arith.constant 491520 : i32
    %add3A_12 = arith.addi %mul3A_2, %add3A_11 : i32
    %dma_wait3A = tpu.memref_slice %arg3[%add3A_12] : memref<16777216xf32, #tpu.memory_space<hbm>> -> memref<16384xf32, #tpu.memory_space<hbm>>
    %dma_wait3A_13 = tpu.memref_slice %arg3[%add3A_12] : memref<16777216xf32, #tpu.memory_space<hbm>> -> memref<16384xf32, #tpu.memory_space<hbm>>
    tpu.wait_dma2 semaphore(%arg10 : memref<!tpu.dma_semaphore, #tpu.memory_space<semaphore_mem>>) src(%arg6 : memref<16384xf32, #tpu.memory_space<vmem>>) dst(%dma_wait3A_13 : memref<16384xf32, #tpu.memory_space<hbm>>)
    %add3A_14 = arith.constant 507904 : i32
    %add3A_15 = arith.addi %mul3A_2, %add3A_14 : i32
    %dma_wait3A_16 = tpu.memref_slice %arg3[%add3A_15] : memref<16777216xf32, #tpu.memory_space<hbm>> -> memref<16384xf32, #tpu.memory_space<hbm>>
    %dma_wait3A_17 = tpu.memref_slice %arg3[%add3A_15] : memref<16777216xf32, #tpu.memory_space<hbm>> -> memref<16384xf32, #tpu.memory_space<hbm>>
    tpu.wait_dma2 semaphore(%arg11 : memref<!tpu.dma_semaphore, #tpu.memory_space<semaphore_mem>>) src(%arg7 : memref<16384xf32, #tpu.memory_space<vmem>>) dst(%dma_wait3A_17 : memref<16384xf32, #tpu.memory_space<hbm>>)
    return
  }
}

</mosaic_0001>

<sc_bundles>
// kernel: kernel.3.cloned.1.call-start
scs
__scs_entry_jumppad:
0x0: {  	(pc) =	sbr.rel $0x88, $3  }
0x1: {  	(tag) =	ssettag $0x0;
	lr =	simm.s32 $0x1  }
0x2: {  	[smem:$0x3FA0] =	sst lr;
	_ =	strace $0xD0000000  }
0x3: {  	_ = 	snop  }
0x4: {  	_ = 	snop  }
0x5: {  	_ = 	snop  }
0x6: {  	_ = 	snop  }
0x7: {  	_ = 	snop  }
__scs_overlays_trampoline_lowered:
0x8: {  	[smem:$0x3FAF] =	sst s0  }
0x9: {  	[smem:$0x3FB0] =	sst s1  }
0xa: {  	[smem:$0x3FB1] =	sst s2  }
0xb: {  	[smem:$0x3FB2] =	sst s3  }
0xc: {  	[smem:$0x3FB3] =	sst s4  }
0xd: {  	[smem:$0x3FB4] =	sst s5  }
0xe: {  	[smem:$0x3FB5] =	sst s6  }
0xf: {  	[smem:$0x3FB6] =	sst s7  }
0x10: {  	[smem:$0x3FB7] =	sst s8  }
0x11: {  	[smem:$0x3FB8] =	sst s9;
	s0 =	simm.s32 @!p0 $0x0  }
0x12: {  	s1 =	sld [smem:$0x3F9E];
	s0 =	simm.s32 @p0 $0x1  }
0x13: {  	[smem:$0x3FB9] =	sst s0;
	s0 =	simm.s32 @!p1 $0x0  }
0x14: {  	s2 =	sld [smem:$0x3F9D];
	s0 =	simm.s32 @p1 $0x1  }
0x15: {  	[smem:$0x3FBA] =	sst s0;
	s0 =	simm.s32 @!p2 $0x0  }
0x16: {  	s3 =	sld [smem:$0x3FDB];
	s0 =	simm.s32 @p2 $0x1  }
0x17: {  	s4 =	simm.s32 $0x1BF5;
	[smem:$0x3FBC] =	sst s0  }
0x18: {  	s0 =	sld [smem:$0x3F9F];
	_ =	swait.ge [sflag:s4], $0x0  }
0x19: {  	s7 =	sld [smem:$0x3FA0]  }
0x1a: {  	s8 =	sadd.s32 $0xFFFFE003, lr  }
0x1b: {  	s9 =	sadd.s32 $0xFFFFFEF7, lr;
	s5 =	simm.s32 $0xFFFFFFFF;
	p2 =	slt.u32 s8, $0xFFFFF086  }
0x1c: {  	p1 =	slt.u32 s9, $0xF7A;
	s5 =	simm.s32 @!p2 $0x0  }
0x1d: {  	s5 =	simm.s32 @p1 $0x1;
	p0 =	seq.s32 s7, s2  }
0x1e: {  	s7 =	smul.u32 @!p0 $0xF7A, s2;
	p2 =	seq.s32 @!p0 s5, $0x0  }
0x1f: {  	s9 =	smul.u32 $0xF7A, s1;
	s8 =	simm.s32 @!p0 $0x1BF5;
	p2 =	por !p2, p0  }
0x20: {  	[sflag:s8] =	ssyncset.s32 @!p0 $0xFFFFF086;
	s6 =	sadd.s32 @!p0 s3, s7;
	s7 =	simm.s32 @!p0 $0x108  }
0x21: {  	s3 =	sadd.s32 s3, s9;
	s6 =	sadd.s32 @!p0 $0x88, s6;
	s7 =	simm.s32 @p2 $0x1082  }
0x22: {  	[simem:s7], [sflag:s8] =	dma.local @!p0 [hbm:s6], $0xF7A  }
0x23: {  	s9 =	sor.u32 $0xD0000000, s2;
	s6 =	simm.s32 $0x108;
	_ =	swait.ge @!p0 [sflag:s8], $0x0  }
0x24: {  	s3 =	sadd.s32 $0x88, s3;
	s6 =	simm.s32 @!p1 $0x1082;
	[sflag:s4] =	ssyncset.s32 $0xFFFFF086  }
0x25: {  	[simem:s6], [sflag:s4] =	dma.local [hbm:s3], $0xF7A  }
0x26: {  	[smem:$0x3FA0] =	sst s1;
	(tag) =	ssettag s2;
	_ =	strace s9  }
0x27: {  	s1 =	sld [smem:$0x3FB0]  }
0x28: {  	s2 =	sld [smem:$0x3FB1]  }
0x29: {  	s4 =	sld [smem:$0x3FB3]  }
0x2a: {  	p0 =	seq.s32 s5, $0x0;
	s5 =	sld [smem:$0x3FB4]  }
0x2b: {  	s6 =	sld [smem:$0x3FB5]  }
0x2c: {  	s7 =	sld [smem:$0x3FB6]  }
0x2d: {  	s3 =	simm.s32 $0x108;
	s8 =	sld [smem:$0x3FB7]  }
0x2e: {  	s3 =	simm.s32 @!p0 $0x1082;
	s9 =	sld [smem:$0x3FB8]  }
0x2f: {  	lr =	sadd.s32 s0, s3;
	s0 =	sld [smem:$0x3FAF]  }
0x30: {  	s3 =	sld [smem:$0x3FB2]  }
0x31: {  	[smem:$0x3FBB] =	sst s10  }
0x32: {  	s10 =	sld [smem:$0x3FB9];
	_ =	sdelay $0x3  }
0x33: {  	p0 =	seq.s32 s10, $0x1;
	s10 =	sld [smem:$0x3FBB];
	_ =	sdelay $0x3  }
0x34: {  	[smem:$0x3FBB] =	sst s10  }
0x35: {  	s10 =	sld [smem:$0x3FBA];
	_ =	sdelay $0x3  }
0x36: {  	p1 =	seq.s32 s10, $0x1;
	s10 =	sld [smem:$0x3FBB];
	_ =	sdelay $0x3  }
0x37: {  	[smem:$0x3FBB] =	sst s10  }
0x38: {  	s10 =	sld [smem:$0x3FBC]  }
0x39: {  	_ = 	snop;
	(pc) =	sbr.ind lr, $3  }
0x3a: {  	_ = 	snop  }
0x3b: {  	_ = 	snop  }
0x3c: {  	p2 =	seq.s32 s10, $0x1;
	s10 =	sld [smem:$0x3FBB]  }
0x3d: {  	_ =	shalt  }
0x3e: {  	_ =	shalt  }
0x3f: {  	_ =	shalt  }
0x40: {  	_ =	shalt  }
0x41: {  	_ =	shalt  }
0x42: {  	_ =	shalt  }
0x43: {  	_ =	shalt  }
0x44: {  	_ =	shalt  }
0x45: {  	_ =	shalt  }
0x46: {  	_ =	shalt  }
0x47: {  	_ =	shalt  }
0x48: {  	_ =	shalt  }
0x49: {  	_ =	shalt  }
0x4a: {  	_ =	shalt  }
0x4b: {  	_ =	shalt  }
0x4c: {  	_ =	shalt  }
0x4d: {  	_ =	shalt  }
0x4e: {  	_ =	shalt  }
0x4f: {  	_ =	shalt  }
0x50: {  	_ =	shalt  }
0x51: {  	_ =	shalt  }
0x52: {  	_ =	shalt  }
0x53: {  	_ =	shalt  }
0x54: {  	_ =	shalt  }
0x55: {  	_ =	shalt  }
0x56: {  	_ =	shalt  }
0x57: {  	_ =	shalt  }
0x58: {  	_ =	shalt  }
0x59: {  	_ =	shalt  }
0x5a: {  	_ =	shalt  }
0x5b: {  	_ =	shalt  }
0x5c: {  	_ =	shalt  }
0x5d: {  	_ =	shalt  }
0x5e: {  	_ =	shalt  }
0x5f: {  	_ =	shalt  }
0x60: {  	_ =	shalt  }
0x61: {  	_ =	shalt  }
0x62: {  	_ =	shalt  }
0x63: {  	_ =	shalt  }
0x64: {  	_ =	shalt  }
0x65: {  	_ =	shalt  }
0x66: {  	_ =	shalt  }
0x67: {  	_ =	shalt  }
0x68: {  	_ =	shalt  }
0x69: {  	_ =	shalt  }
0x6a: {  	_ =	shalt  }
0x6b: {  	_ =	shalt  }
0x6c: {  	_ =	shalt  }
0x6d: {  	_ =	shalt  }
0x6e: {  	_ =	shalt  }
0x6f: {  	_ =	shalt  }
0x70: {  	_ =	shalt  }
0x71: {  	_ =	shalt  }
0x72: {  	_ =	shalt  }
0x73: {  	_ =	shalt  }
0x74: {  	_ =	shalt  }
0x75: {  	_ =	shalt  }
0x76: {  	_ =	shalt  }
0x77: {  	_ =	shalt  }
0x78: {  	_ =	shalt  }
0x79: {  	_ =	shalt  }
0x7a: {  	_ =	shalt  }
0x7b: {  	_ =	shalt  }
0x7c: {  	_ =	shalt  }
0x7d: {  	_ =	shalt  }
0x7e: {  	_ =	shalt  }
0x7f: {  	_ =	shalt  }
0x80: {  	_ =	shalt  }
0x81: {  	_ =	shalt  }
0x82: {  	_ =	shalt  }
0x83: {  	_ =	shalt  }
0x84: {  	_ =	shalt  }
0x85: {  	_ =	shalt  }
0x86: {  	_ =	shalt  }
0x87: {  	_ =	shalt  }
.Lfunc_end0:
.L_simem_size_0:
called_computation_lowered:
.L_overlay_start_0:
0x88: {  	s2 =	sld [smem:$0x3FD9]  }
0x89: {  	s3 =	sld [smem:$0x3FFE];
	_ =	sdelay $0x1  }
0x8a: {  	s1 =	srdreg.scid  }
0x8b: {  	s0 =	sand.u32 $0x1, s1  }
0x8c: {  	s18 =	sshll.u32 s0, $0xA;
	s2 =	sadd.s32 s3, s2  }
0x8d: {  	s2 =	sadd.s32 s2, s18  }
0x8e: {  	[smem:$0x3FC7] =	sst s2  }
0x8f: {  	_ = 	snop  }
0x90: {  	s2 =	sld [smem:$0x3FC9]  }
0x91: {  	s19 =	sld [smem:$0x3FD0];
	(tm) =	ssettm $0x1  }
0x92: {  	s4 =	sld [smem:$0x3FFB];
	_ =	sdelay $0x3  }
0x93: {  	_ =	strace s4  }
0x94: {  	s4 =	sld [smem:$0x3FFC];
	_ =	sdelay $0x3  }
0x95: {  	_ =	strace s4  }
0x96: {  	s4 =	sld [smem:$0x3FFD];
	_ =	sdelay $0x3  }
0x97: {  	_ =	strace s4  }
0x98: {  	_ =	strace $0x8FFFFFFF  }
0x99: {  	s20 =	sld [smem:$0x3FDB];
	_ =	sdelay $0x1  }
0x9a: {  	s5 =	simm.s32 $_scs_section_size  }
0x9b: {  	s6 =	simm.s32 $_size__tile_overlayer_lowered;
	s7 =	simm.s32 $_tile_overlayer_lowered  }
0x9c: {  	s23 =	simm.s32 $0x1BFF;
	s22 =	sshll.u32 s7, $0x1;
	s4 =	sadd.s32 s5, s20  }
0x9d: {  	s8 =	simm.s32 $0x0;
	s21 =	sshll.u32 s6, $0x1;
	s6 =	sadd.s32 s22, s4  }
0x9e: {  	[timem:s8], [sflag:s23] =	dma.local [hbm:s6], s21  }
0x9f: {  	_ =	swait.ge [sflag:s23], s21  }
0xa0: {  	s5 =	ssub.s32 $0x0, s21;
	[sflag:s23] =	ssyncset.done $0x0  }
0xa1: {  	[sflag:s23] =	ssyncadd.s32 s5;
	_ =	sdelay $0x1  }
0xa2: {  	s24 =	simm.s32 $0x1B8B  }
0xa3: {  	_ =	swait.ge [sflag:s24], $0x1  }
0xa4: {  	[sflag:s24] =	ssyncset.done $0x0  }
0xa5: {  	s25 =	simm.s32 $0x1B8E;
	[sflag:s24] =	ssyncadd.s32 $0xFFFFFFFF  }
0xa6: {  	s26 =	simm.s32 $execute0_lowered;
	[smem:$0x3FD2] =	sst s25  }
0xa7: {  	s5 =	sshll.u32 s26, $0x1;
	_ =	strace $0x80000046;
	[dreg:$0x1] =	wrdreg $0xFFFFFFFF  }
0xa8: {  	s28 =	simm.s32 $_size_execute0_lowered;
	s4 =	sadd.s32 s4, s5;
	[dreg:$0x0] =	wrdreg $0x0  }
0xa9: {  	s5 =	sshll.u32 s28, $0x1;
	[dreg:$0x2] =	wrdreg s4  }
0xaa: {  	[dreg:$0x3] =	wrdreg s5  }
0xab: {  	[dreg:$0x4] =	wrdreg $0xC0  }
0xac: {  	_ =	task [dreg:s8], $0x5FFFF  }
0xad: {  	[dreg:$0x1] =	wrdreg $0xFFFFFFFF  }
0xae: {  	[dreg:$0x0] =	wrdreg $0x60  }
0xaf: {  	[dreg:$0x2] =	wrdreg s2  }
0xb0: {  	[dreg:$0x3] =	wrdreg s19  }
0xb1: {  	[dreg:$0x4] =	wrdreg $0x9  }
0xb2: {  	_ =	task.clear_ibuf [dreg:s8], $0x5FFFF;
	_ =	strace $0x90000046  }
0xb3: {  	s29 =	simm.s32 $0x9;
	_ =	strace $0x80000048  }
0xb4: {  	_ =	swait.ge [sflag:s29], $0x1  }
0xb5: {  	[sflag:s29] =	ssyncadd.s32 $0xFFFFFFFF  }
0xb6: {  	_ =	strace $0x90000048  }
0xb7: {  	_ =	sfence  }
0xb8: {  	s30 =	sld [smem:$0x0];
	_ =	sdelay $0x2  }
0xb9: {  	s31 =	sshll.u32 s1, $0xD;
	s1 =	sshrl.u32 s1, $0x2  }
0xba: {  	s3 =	sand.u32 $0x4000, s31;
	s1 =	sadd.s32 s1, s30  }
0xbb: {  	s0 =	sor.u32 s3, s0;
	s1 =	sshll.u32 s1, $0x11  }
0xbc: {  	s0 =	sor.u32 s1, s0  }
0xbd: {  	s0 =	sadd.s32 $0x8F2B, s0  }
0xbe: {  	[sflag:s0] =	ssyncadd.remote.s32 $0x1  }
0xbf: {  	_ =	sfence.sel $0xFFFF  }
0xc0: {  	[dreg:$0x0] =	wrdreg $0xFFFFFFFF;
	(pc) =	sbr.abs _section_cstart, $3  }
0xc1: {  	[dreg:$0x1] =	wrdreg $0xFFFFFFFF  }
0xc2: {  	_ =	task.clear_ibuf [dreg:s8], $0x2FFFF;
	_ =	strace $0x9FFFFFFF  }
0xc3: {  	(tm) =	ssettm $0x7FFFFFFF  }
tec
execute0_lowered:
.L_overlay_start_1:
0x0: {  	(tag) =	ssettag $0x1  }
0x1: {  	s1 =	rddreg [dreg:$0x0]  }
0x2: {  	s3 =	rddreg [dreg:$0x1]  }
0x3: {  	s0 =	rddreg [dreg:$0x2];
	s5 =	srdreg.scid  }
0x4: {  	s4 =	simm.s32 $0x0;
	s2 =	stileid.u32;
	s10 =	simm.s32 $0x4000  }
0x5: {  	s11 =	simm.s32 $0x1;
	s12 =	simm.s32 $0x8000;
	s13 =	simm.s32 $0x2  }
0x6: {  	s14 =	simm.s32 $0x4;
	s15 =	simm.s32 $0xC000;
	s16 =	simm.s32 $0x3  }
0x7: {  	s17 =	simm.s32 $0x0;
	s5 =	sand.u32 $0x1, s5;
	s7 =	sshll.u32 s2, $0x14  }
0x8: {  	[smem:$0x7FF] =	sst s4;
	s6 =	ssub.s32 $0x2, s5;
	s5 =	sshll.u32 s5, $0x13  }
0x9: {  	_ =	strace $0x80000047;
	s8 =	sshrl.u32 s6, $0x1;
	s5 =	sor.u32 s5, s7  }
0xa: {  	s9 =	ssub.s32 s6, s8;
	s31 =	sshrl.u32 s5, $0x3;
	s7 =	sor.u32 $0x4000, s5  }
0xb: {  	s8 =	sor.u32 $0x8000, s5;
	s6 =	sadd.s32 s1, s31;
	s9 =	smax.u32 s9, $0x1  }
.LBB2_1:
0xc: {  	[tilespmem:s4], [sflag:$0x1] =	stream.linear.gather [hbm4b:s6+s4], $0x4000, $0x38;
	[tilespmem:$0x10000] =	vst v63  }
0xd: {  	s18 =	simm.s32 $0x0  }
.LBB2_2:
0xe: {  	s20 =	sshll.u32 s18, $0xF  }
0xf: {  	s19 =	sadd.s32 s7, s20  }
0x10: {  	s19 =	sshrl.u32 s19, $0x3  }
0x11: {  	s21 =	sadd.s32 s1, s19  }
0x12: {  	[tilespmem:s10], [sflag:$0x2] =	stream.linear.gather [hbm4b:s21+s4], $0x4000, $0x38;
	[tilespmem:$0x10000] =	vst v63  }
0x13: {  	_ =	swait.ge [sflag:s11], $0x4000  }
0x14: {  	p0 =	seq.s32 s18, $0x0;
	[sflag:s11] =	ssyncset.done $0x0  }
0x15: {  	s21 =	simm.s32 @!p0 $0x3;
	[sflag:s11] =	ssyncadd.s32 $0xFFFFC000  }
0x16: {  	_ =	swait.ge @!p0 [sflag:s21], $0x4000  }
0x17: {  	[sflag:s21] =	ssyncset.done @!p0 $0x0  }
0x18: {  	[sflag:s21] =	ssyncadd.s32 @!p0 $0xFFFFC000;
	s21 =	simm.s32 $0x0  }
0x19: {  	v0 =	vld [tilespmem:s21+$0x70]  }
0x1a: {  	v2 =	vld [tilespmem:s21+$0xF0]  }
0x1b: {  	v5 =	vld [tilespmem:s21+$0x0]  }
0x1c: {  	v6 =	vld [tilespmem:s21+$0x10]  }
0x1d: {  	v4 =	vld [tilespmem:s21+$0x20]  }
0x1e: {  	v8 =	vld [tilespmem:s21+$0x30]  }
0x1f: {  	v9 =	vld [tilespmem:s21+$0x40]  }
0x20: {  	v10 =	vld [tilespmem:s21+$0x50]  }
0x21: {  	v7 =	vld [tilespmem:s21+$0x60];
	v1 =	vxor.u32 $0x80000000, v0;
	vm7 =	vge.f32 v0, $0.0e+00  }
0x22: {  	v11 =	vld [tilespmem:s21+$0x80];
	v3 =	vmax.f32 v2, $0.0e+00;
	vm5 =	vge.f32 v5, $0.0e+00;
	v14 =	vxor.u32 $0x80000000, v5  }
0x23: {  	v12 =	vld [tilespmem:s21+$0x90];
	vm4 =	vge.f32 v6, $0.0e+00;
	v15 =	vxor.u32 $0x80000000, v6;
	vm0 =	vgt.f32 v2, v1  }
0x24: {  	v13 =	vld [tilespmem:s21+$0xA0];
	vm6 =	vge.f32 v4, $0.0e+00;
	v18 =	vxor.u32 $0x80000000, v4;
	vm0 =	vmor vm7, vm0  }
0x25: {  	vm3 =	vge.f32 v8, $0.0e+00;
	v21 =	vxor.u32 $0x80000000, v8;
	v1 =	vld [tilespmem:s21+$0xC0];
	v0 =	vnsel vm0, $0x0, v0  }
0x26: {  	vm2 =	vge.f32 v9, $0.0e+00;
	v22 =	vxor.u32 $0x80000000, v9;
	vm1 =	vge.f32 v10, $0.0e+00;
	[tilespmem:s21+$0x8070] =	vst v0;
	v0 =	vld [tilespmem:s21+$0xB0]  }
0x27: {  	v20 =	vxor.u32 $0x80000000, v10;
	v19 =	vxor.u32 $0x80000000, v7;
	v17 =	vmax.f32 v11, $0.0e+00  }
0x28: {  	v16 =	vmax.f32 v12, $0.0e+00;
	v23 =	vsel vm7, v2, v3;
	vm8 =	vgt.f32 v12, v15;
	v2 =	vld [tilespmem:s21+$0xD0]  }
0x29: {  	vm9 =	vgt.f32 v13, v18;
	v18 =	vmax.f32 v13, $0.0e+00;
	v3 =	vld [tilespmem:s21+$0xE0];
	vm7 =	vgt.f32 v11, v14  }
0x2a: {  	vm8 =	vmor vm4, vm8;
	vm9 =	vmor vm6, vm9;
	vm0 =	vge.f32 v7, $0.0e+00  }
0x2b: {  	vm7 =	vmor vm5, vm7;
	vm11 =	vgt.f32 v1, v22;
	vm10 =	vgt.f32 v0, v21  }
0x2c: {  	s23 =	simm.s32 $0x100;
	s24 =	simm.s32 $0x800;
	s22 =	sor.u32 s5, s20;
	[tilespmem:s21+$0x80F0] =	vst v23;
	v15 =	vmax.f32 v1, $0.0e+00;
	v14 =	vmax.f32 v0, $0.0e+00;
	vm10 =	vmor vm3, vm10  }
.LBB2_3:
0x2d: {  	p1 =	sne.s32 s24, $0xFC00;
	v21 =	vld [tilespmem:s23+$0x70];
	vm11 =	vmor vm2, vm11;
	vm12 =	vgt.f32 v2, v20;
	v20 =	vmax.f32 v2, $0.0e+00  }
0x2e: {  	v22 =	vld [tilespmem:s23+$0xF0];
	vm12 =	vmor vm1, vm12;
	vm13 =	vgt.f32 v3, v19;
	v19 =	vmax.f32 v3, $0.0e+00  }
0x2f: {  	v23 =	vnsel vm7, $0x0, v5;
	v24 =	vnsel vm8, $0x0, v6;
	v5 =	vld [tilespmem:s23+$0x0];
	vm7 =	vmor vm0, vm13  }
0x30: {  	v25 =	vnsel vm10, $0x0, v8;
	v26 =	vnsel vm11, $0x0, v9;
	v6 =	vld [tilespmem:s23+$0x10];
	[tilespmem:s21+$0x8000] =	vst v23;
	v23 =	vnsel vm9, $0x0, v4  }
0x31: {  	v17 =	vsel vm5, v11, v17;
	v11 =	vnsel vm12, $0x0, v10;
	v4 =	vld [tilespmem:s23+$0x20];
	[tilespmem:s21+$0x8010] =	vst v24;
	v24 =	vnsel vm7, $0x0, v7  }
0x32: {  	v16 =	vsel vm4, v12, v16;
	v18 =	vsel vm6, v13, v18;
	v8 =	vld [tilespmem:s23+$0x30];
	v7 =	vxor.u32 $0x80000000, v21;
	[tilespmem:s21+$0x8020] =	vst v23  }
0x33: {  	vm7 =	vge.f32 v21, $0.0e+00;
	v9 =	vld [tilespmem:s23+$0x40];
	vm4 =	vgt.f32 v22, v7;
	v23 =	vmax.f32 v22, $0.0e+00;
	[tilespmem:s21+$0x8030] =	vst v25  }
0x34: {  	vm5 =	vge.f32 v5, $0.0e+00;
	v25 =	vxor.u32 $0x80000000, v5;
	v10 =	vld [tilespmem:s23+$0x50];
	vm6 =	vmor vm7, vm4;
	[tilespmem:s21+$0x8040] =	vst v26  }
0x35: {  	vm4 =	vge.f32 v6, $0.0e+00;
	v26 =	vxor.u32 $0x80000000, v6;
	v7 =	vld [tilespmem:s23+$0x60];
	v12 =	vnsel vm6, $0x0, v21;
	[tilespmem:s21+$0x8050] =	vst v11  }
0x36: {  	v14 =	vsel vm3, v0, v14;
	v11 =	vld [tilespmem:s23+$0x80];
	vm6 =	vge.f32 v4, $0.0e+00;
	v21 =	vxor.u32 $0x80000000, v4;
	[tilespmem:s23+$0x8070] =	vst v12  }
0x37: {  	v15 =	vsel vm2, v1, v15;
	v12 =	vld [tilespmem:s23+$0x90];
	vm3 =	vge.f32 v8, $0.0e+00;
	v27 =	vxor.u32 $0x80000000, v8;
	[tilespmem:s21+$0x8060] =	vst v24  }
0x38: {  	v28 =	vsel vm1, v2, v20;
	v13 =	vld [tilespmem:s23+$0xA0];
	vm2 =	vge.f32 v9, $0.0e+00;
	v24 =	vxor.u32 $0x80000000, v9;
	[tilespmem:s21+$0x8080] =	vst v17  }
0x39: {  	v29 =	vsel vm0, v3, v19;
	v0 =	vld [tilespmem:s23+$0xB0];
	vm1 =	vge.f32 v10, $0.0e+00;
	v20 =	vxor.u32 $0x80000000, v10;
	[tilespmem:s21+$0x8090] =	vst v16  }
0x3a: {  	v22 =	vsel vm7, v22, v23;
	v1 =	vld [tilespmem:s23+$0xC0];
	vm0 =	vge.f32 v7, $0.0e+00;
	v19 =	vxor.u32 $0x80000000, v7;
	[tilespmem:s21+$0x80A0] =	vst v18  }
.Ltmp0:
0x3b: {  	vm7 =	vgt.f32 v11, v25;
	v17 =	vmax.f32 v11, $0.0e+00;
	v2 =	vld [tilespmem:s23+$0xD0];
	[tilespmem:s21+$0x80B0] =	vst v14;
	(pc) =	sbr.rel @p1 .LBB2_3-.Ltmp0, $4  }
0x3c: {  	vm7 =	vmor vm5, vm7;
	vm8 =	vgt.f32 v12, v26;
	v16 =	vmax.f32 v12, $0.0e+00;
	v3 =	vld [tilespmem:s23+$0xE0];
	[tilespmem:s21+$0x80C0] =	vst v15  }
0x3d: {  	vm8 =	vmor vm4, vm8;
	vm9 =	vgt.f32 v13, v21;
	v18 =	vmax.f32 v13, $0.0e+00;
	[tilespmem:s21+$0x80D0] =	vst v28  }
0x3e: {  	vm9 =	vmor vm6, vm9;
	vm10 =	vgt.f32 v0, v27;
	v14 =	vmax.f32 v0, $0.0e+00;
	[tilespmem:s21+$0x80E0] =	vst v29;
	s21 =	smov.u32 s23  }
0x3f: {  	s23 =	sshra.s32 s24, $0x2;
	s24 =	sadd.s32 $0x400, s24;
	vm10 =	vmor vm3, vm10;
	vm11 =	vgt.f32 v1, v24;
	v15 =	vmax.f32 v1, $0.0e+00;
	[tilespmem:s21+$0x80F0] =	vst v22  }
0x40: {  	v21 =	vld [tilespmem:s23+$0x70]  }
0x41: {  	v22 =	vld [tilespmem:s23+$0xF0]  }
0x42: {  	v23 =	vld [tilespmem:s23+$0x0];
	v5 =	vnsel vm7, $0x0, v5  }
0x43: {  	v24 =	vld [tilespmem:s23+$0x10];
	v55 =	vnsel vm8, $0x0, v6;
	[tilespmem:s21+$0x8000] =	vst v5  }
0x44: {  	v4 =	vnsel vm9, $0x0, v4;
	v57 =	vnsel vm10, $0x0, v8;
	vm14 =	vmor vm2, vm11;
	v56 =	vld [tilespmem:s23+$0x20];
	[tilespmem:s21+$0x8010] =	vst v55  }
0x45: {  	vm15 =	vgt.f32 v2, v20;
	v59 =	vnsel vm14, $0x0, v9;
	v5 =	vld [tilespmem:s23+$0x30];
	[tilespmem:s21+$0x8020] =	vst v4;
	v61 =	vxor.u32 $0x80000000, v21  }
0x46: {  	vm11 =	vmor vm1, vm15;
	v58 =	vld [tilespmem:s23+$0x40];
	[tilespmem:s21+$0x8030] =	vst v57;
	vm7 =	vge.f32 v21, $0.0e+00;
	vm12 =	vgt.f32 v22, v61  }
0x47: {  	vm13 =	vgt.f32 v3, v19;
	v62 =	vnsel vm11, $0x0, v10;
	v60 =	vld [tilespmem:s23+$0x50];
	[tilespmem:s21+$0x8040] =	vst v59;
	vm8 =	vmor vm7, vm12  }
0x48: {  	vm14 =	vmor vm0, vm13;
	v63 =	vld [tilespmem:s23+$0x60];
	[tilespmem:s21+$0x8050] =	vst v62;
	v28 =	vnsel vm8, $0x0, v21  }
0x49: {  	v30 =	vnsel vm14, $0x0, v7;
	v29 =	vld [tilespmem:s23+$0x80];
	[tilespmem:s23+$0x8070] =	vst v28  }
0x4a: {  	v32 =	vsel vm5, v11, v17;
	v34 =	vsel vm4, v12, v16;
	v36 =	vmax.f32 v2, $0.0e+00;
	v31 =	vld [tilespmem:s23+$0x90];
	[tilespmem:s21+$0x8060] =	vst v30  }
0x4b: {  	v38 =	vsel vm6, v13, v18;
	v0 =	vsel vm3, v0, v14;
	v37 =	vmax.f32 v3, $0.0e+00;
	v33 =	vld [tilespmem:s23+$0xA0];
	[tilespmem:s21+$0x8080] =	vst v32  }
0x4c: {  	v1 =	vsel vm2, v1, v15;
	v2 =	vsel vm1, v2, v36;
	v3 =	vsel vm0, v3, v37;
	v35 =	vld [tilespmem:s23+$0xB0];
	[tilespmem:s21+$0x8090] =	vst v34  }
0x4d: {  	v39 =	vmax.f32 v22, $0.0e+00;
	vm4 =	vge.f32 v23, $0.0e+00;
	v41 =	vxor.u32 $0x80000000, v23;
	v40 =	vld [tilespmem:s23+$0xC0];
	[tilespmem:s21+$0x80A0] =	vst v38  }
0x4e: {  	vm5 =	vge.f32 v24, $0.0e+00;
	v42 =	vxor.u32 $0x80000000, v24;
	v49 =	vsel vm7, v22, v39;
	v44 =	vld [tilespmem:s23+$0xD0];
	[tilespmem:s21+$0x80B0] =	vst v0  }
0x4f: {  	vm6 =	vge.f32 v56, $0.0e+00;
	v43 =	vxor.u32 $0x80000000, v56;
	vm3 =	vge.f32 v5, $0.0e+00;
	v46 =	vld [tilespmem:s23+$0xE0];
	[tilespmem:s21+$0x80C0] =	vst v1  }
0x50: {  	v25 =	vxor.u32 $0x80000000, v5;
	vm2 =	vge.f32 v58, $0.0e+00;
	vm15 =	vgt.f32 v29, v41;
	[tilespmem:s21+$0x80D0] =	vst v2  }
0x51: {  	v45 =	vxor.u32 $0x80000000, v58;
	vm13 =	vgt.f32 v31, v42;
	vm12 =	vmor vm4, vm15;
	[tilespmem:s21+$0x80E0] =	vst v3  }
0x52: {  	vm1 =	vge.f32 v60, $0.0e+00;
	vm8 =	vmor vm5, vm13;
	v50 =	vnsel vm12, $0x0, v23;
	[tilespmem:s23+$0x80F0] =	vst v49  }
0x53: {  	v51 =	vnsel vm8, $0x0, v24;
	vm14 =	vgt.f32 v33, v43;
	[tilespmem:s23+$0x8000] =	vst v50;
	v59 =	vmax.f32 v33, $0.0e+00  }
0x54: {  	[tilespmem:s23+$0x8010] =	vst v51;
	vm15 =	vmor vm6, vm14;
	vm12 =	vgt.f32 v35, v25;
	v2 =	vsel vm6, v33, v59  }
0x55: {  	v47 =	vxor.u32 $0x80000000, v60;
	vm13 =	vmor vm3, vm12;
	v52 =	vnsel vm15, $0x0, v56;
	[tilespmem:s23+$0x80A0] =	vst v2  }
0x56: {  	vm14 =	vgt.f32 v40, v45;
	v56 =	vmax.f32 v29, $0.0e+00;
	v53 =	vnsel vm13, $0x0, v5;
	[tilespmem:s23+$0x8020] =	vst v52  }
0x57: {  	vm0 =	vge.f32 v63, $0.0e+00;
	vm15 =	vmor vm2, vm14;
	v0 =	vsel vm4, v29, v56;
	[tilespmem:s23+$0x8030] =	vst v53  }
0x58: {  	vm12 =	vgt.f32 v44, v47;
	v62 =	vmax.f32 v44, $0.0e+00;
	v54 =	vnsel vm15, $0x0, v58;
	[tilespmem:s23+$0x8080] =	vst v0  }
0x59: {  	v48 =	vxor.u32 $0x80000000, v63;
	vm13 =	vmor vm1, vm12;
	v2 =	vsel vm1, v44, v62;
	[tilespmem:s23+$0x8040] =	vst v54  }
0x5a: {  	vm14 =	vgt.f32 v46, v48;
	v58 =	vmax.f32 v31, $0.0e+00;
	v55 =	vnsel vm13, $0x0, v60;
	[tilespmem:s23+$0x80D0] =	vst v2  }
0x5b: {  	vm15 =	vmor vm0, vm14;
	v1 =	vsel vm5, v31, v58;
	[tilespmem:s23+$0x8050] =	vst v55  }
0x5c: {  	p1 =	sne.s32 s18, $0xF;
	v60 =	vmax.f32 v35, $0.0e+00;
	v57 =	vnsel vm15, $0x0, v63;
	[tilespmem:s23+$0x8090] =	vst v1  }
.Ltmp1:
0x5d: {  	v61 =	vmax.f32 v40, $0.0e+00;
	v0 =	vsel vm3, v35, v60;
	[tilespmem:s23+$0x8060] =	vst v57;
	(pc) =	sbr.rel @p1 .LBB2_6-.Ltmp1, $4  }
0x5e: {  	v1 =	vsel vm2, v40, v61;
	v63 =	vmax.f32 v46, $0.0e+00;
	[tilespmem:s23+$0x80B0] =	vst v0  }
0x5f: {  	s31 =	sshrl.u32 s22, $0x3;
	[tilespmem:s23+$0x80C0] =	vst v1;
	v0 =	vsel vm0, v46, v63  }
0x60: {  	s21 =	sadd.s32 s3, s31;
	[tilespmem:s23+$0x80E0] =	vst v0  }
0x61: {  	[hbm4b:s21+s4] =	stream.linear.scatter [tilespmem:s12], [sflag:$0x3], $0x4000, $0x38;
	[tilespmem:$0x10000] =	vst v63  }
.Ltmp2:
0x62: {  	(pc) =	sbr.rel .LBB2_7-.Ltmp2, $4  }
0x63: {  	_ = 	snop  }
0x64: {  	_ =	swait.ge [sflag:s13], $0x4000  }
0x65: {  	[sflag:s13] =	ssyncset.done $0x0  }
0x66: {  	[sflag:s13] =	ssyncadd.s32 $0xFFFFC000  }
.LBB2_6:
0x67: {  	s20 =	sadd.s32 s20, s8  }
0x68: {  	s20 =	sshrl.u32 s20, $0x3  }
.Ltmp3:
0x69: {  	s20 =	sadd.s32 s1, s20;
	(pc) =	sbr.rel @p0 .LBB2_8-.Ltmp3, $4  }
0x6a: {  	[tilespmem:s4], [sflag:$0x1] =	stream.linear.gather [hbm4b:s20+s4], $0x4000, $0x38;
	[tilespmem:$0x10000] =	vst v63  }
0x6b: {  	_ =	swait.ge [sflag:s13], $0x4000  }
0x6c: {  	[sflag:s13] =	ssyncset.done $0x0  }
0x6d: {  	[sflag:s13] =	ssyncadd.s32 $0xFFFFC000  }
.LBB2_7:
0x6e: {  	_ =	swait.ge [sflag:s14], $0x4000  }
0x6f: {  	[sflag:s14] =	ssyncset.done $0x0  }
0x70: {  	[sflag:s14] =	ssyncadd.s32 $0xFFFFC000  }
.LBB2_8:
0x71: {  	s20 =	simm.s32 $0x0  }
0x72: {  	v0 =	vld [tilespmem:s20+$0x4070]  }
0x73: {  	v2 =	vld [tilespmem:s20+$0x40F0]  }
0x74: {  	v5 =	vld [tilespmem:s20+$0x4000]  }
0x75: {  	v6 =	vld [tilespmem:s20+$0x4010]  }
0x76: {  	v4 =	vld [tilespmem:s20+$0x4020]  }
0x77: {  	v8 =	vld [tilespmem:s20+$0x4030]  }
0x78: {  	v9 =	vld [tilespmem:s20+$0x4040]  }
0x79: {  	v10 =	vld [tilespmem:s20+$0x4050]  }
0x7a: {  	v7 =	vld [tilespmem:s20+$0x4060];
	v1 =	vxor.u32 $0x80000000, v0;
	vm7 =	vge.f32 v0, $0.0e+00  }
0x7b: {  	v11 =	vld [tilespmem:s20+$0x4080];
	v3 =	vmax.f32 v2, $0.0e+00;
	vm5 =	vge.f32 v5, $0.0e+00;
	v14 =	vxor.u32 $0x80000000, v5  }
0x7c: {  	v12 =	vld [tilespmem:s20+$0x4090];
	vm4 =	vge.f32 v6, $0.0e+00;
	v15 =	vxor.u32 $0x80000000, v6;
	vm0 =	vgt.f32 v2, v1  }
0x7d: {  	v13 =	vld [tilespmem:s20+$0x40A0];
	vm6 =	vge.f32 v4, $0.0e+00;
	v18 =	vxor.u32 $0x80000000, v4;
	vm0 =	vmor vm7, vm0  }
0x7e: {  	vm3 =	vge.f32 v8, $0.0e+00;
	v21 =	vxor.u32 $0x80000000, v8;
	v1 =	vld [tilespmem:s20+$0x40C0];
	v0 =	vnsel vm0, $0x0, v0  }
0x7f: {  	vm2 =	vge.f32 v9, $0.0e+00;
	v22 =	vxor.u32 $0x80000000, v9;
	vm1 =	vge.f32 v10, $0.0e+00;
	[tilespmem:s20+$0xC070] =	vst v0;
	v0 =	vld [tilespmem:s20+$0x40B0]  }
0x80: {  	v20 =	vxor.u32 $0x80000000, v10;
	v19 =	vxor.u32 $0x80000000, v7;
	v17 =	vmax.f32 v11, $0.0e+00  }
0x81: {  	v16 =	vmax.f32 v12, $0.0e+00;
	v23 =	vsel vm7, v2, v3;
	vm8 =	vgt.f32 v12, v15;
	v2 =	vld [tilespmem:s20+$0x40D0]  }
0x82: {  	vm9 =	vgt.f32 v13, v18;
	v18 =	vmax.f32 v13, $0.0e+00;
	v3 =	vld [tilespmem:s20+$0x40E0];
	vm7 =	vgt.f32 v11, v14  }
0x83: {  	vm8 =	vmor vm4, vm8;
	vm9 =	vmor vm6, vm9;
	vm0 =	vge.f32 v7, $0.0e+00  }
0x84: {  	vm7 =	vmor vm5, vm7;
	vm11 =	vgt.f32 v1, v22;
	vm10 =	vgt.f32 v0, v21  }
0x85: {  	s21 =	simm.s32 $0x100;
	s22 =	simm.s32 $0x800;
	[tilespmem:s20+$0xC0F0] =	vst v23;
	v15 =	vmax.f32 v1, $0.0e+00;
	v14 =	vmax.f32 v0, $0.0e+00;
	vm10 =	vmor vm3, vm10  }
.LBB2_9:
0x86: {  	p0 =	sne.s32 s22, $0xFC00;
	v21 =	vld [tilespmem:s21+$0x4070];
	vm11 =	vmor vm2, vm11;
	vm12 =	vgt.f32 v2, v20;
	v20 =	vmax.f32 v2, $0.0e+00  }
0x87: {  	v22 =	vld [tilespmem:s21+$0x40F0];
	vm12 =	vmor vm1, vm12;
	vm13 =	vgt.f32 v3, v19;
	v19 =	vmax.f32 v3, $0.0e+00  }
0x88: {  	v23 =	vnsel vm7, $0x0, v5;
	v24 =	vnsel vm8, $0x0, v6;
	v5 =	vld [tilespmem:s21+$0x4000];
	vm7 =	vmor vm0, vm13  }
0x89: {  	v25 =	vnsel vm10, $0x0, v8;
	v26 =	vnsel vm11, $0x0, v9;
	v6 =	vld [tilespmem:s21+$0x4010];
	[tilespmem:s20+$0xC000] =	vst v23;
	v23 =	vnsel vm9, $0x0, v4  }
0x8a: {  	v17 =	vsel vm5, v11, v17;
	v11 =	vnsel vm12, $0x0, v10;
	v4 =	vld [tilespmem:s21+$0x4020];
	[tilespmem:s20+$0xC010] =	vst v24;
	v24 =	vnsel vm7, $0x0, v7  }
0x8b: {  	v16 =	vsel vm4, v12, v16;
	v18 =	vsel vm6, v13, v18;
	v8 =	vld [tilespmem:s21+$0x4030];
	v7 =	vxor.u32 $0x80000000, v21;
	[tilespmem:s20+$0xC020] =	vst v23  }
0x8c: {  	vm7 =	vge.f32 v21, $0.0e+00;
	v9 =	vld [tilespmem:s21+$0x4040];
	vm4 =	vgt.f32 v22, v7;
	v23 =	vmax.f32 v22, $0.0e+00;
	[tilespmem:s20+$0xC030] =	vst v25  }
0x8d: {  	vm5 =	vge.f32 v5, $0.0e+00;
	v25 =	vxor.u32 $0x80000000, v5;
	v10 =	vld [tilespmem:s21+$0x4050];
	vm6 =	vmor vm7, vm4;
	[tilespmem:s20+$0xC040] =	vst v26  }
0x8e: {  	vm4 =	vge.f32 v6, $0.0e+00;
	v26 =	vxor.u32 $0x80000000, v6;
	v7 =	vld [tilespmem:s21+$0x4060];
	v12 =	vnsel vm6, $0x0, v21;
	[tilespmem:s20+$0xC050] =	vst v11  }
0x8f: {  	v14 =	vsel vm3, v0, v14;
	v11 =	vld [tilespmem:s21+$0x4080];
	vm6 =	vge.f32 v4, $0.0e+00;
	v21 =	vxor.u32 $0x80000000, v4;
	[tilespmem:s21+$0xC070] =	vst v12  }
0x90: {  	v15 =	vsel vm2, v1, v15;
	v12 =	vld [tilespmem:s21+$0x4090];
	vm3 =	vge.f32 v8, $0.0e+00;
	v27 =	vxor.u32 $0x80000000, v8;
	[tilespmem:s20+$0xC060] =	vst v24  }
0x91: {  	v28 =	vsel vm1, v2, v20;
	v13 =	vld [tilespmem:s21+$0x40A0];
	vm2 =	vge.f32 v9, $0.0e+00;
	v24 =	vxor.u32 $0x80000000, v9;
	[tilespmem:s20+$0xC080] =	vst v17  }
0x92: {  	v29 =	vsel vm0, v3, v19;
	v0 =	vld [tilespmem:s21+$0x40B0];
	vm1 =	vge.f32 v10, $0.0e+00;
	v20 =	vxor.u32 $0x80000000, v10;
	[tilespmem:s20+$0xC090] =	vst v16  }
0x93: {  	v22 =	vsel vm7, v22, v23;
	v1 =	vld [tilespmem:s21+$0x40C0];
	vm0 =	vge.f32 v7, $0.0e+00;
	v19 =	vxor.u32 $0x80000000, v7;
	[tilespmem:s20+$0xC0A0] =	vst v18  }
.Ltmp4:
0x94: {  	vm7 =	vgt.f32 v11, v25;
	v17 =	vmax.f32 v11, $0.0e+00;
	v2 =	vld [tilespmem:s21+$0x40D0];
	[tilespmem:s20+$0xC0B0] =	vst v14;
	(pc) =	sbr.rel @p0 .LBB2_9-.Ltmp4, $4  }
0x95: {  	vm7 =	vmor vm5, vm7;
	vm8 =	vgt.f32 v12, v26;
	v16 =	vmax.f32 v12, $0.0e+00;
	v3 =	vld [tilespmem:s21+$0x40E0];
	[tilespmem:s20+$0xC0C0] =	vst v15  }
0x96: {  	vm8 =	vmor vm4, vm8;
	vm9 =	vgt.f32 v13, v21;
	v18 =	vmax.f32 v13, $0.0e+00;
	[tilespmem:s20+$0xC0D0] =	vst v28  }
0x97: {  	vm9 =	vmor vm6, vm9;
	vm10 =	vgt.f32 v0, v27;
	v14 =	vmax.f32 v0, $0.0e+00;
	[tilespmem:s20+$0xC0E0] =	vst v29;
	s20 =	smov.u32 s21  }
0x98: {  	s21 =	sshra.s32 s22, $0x2;
	s22 =	sadd.s32 $0x400, s22;
	vm10 =	vmor vm3, vm10;
	vm11 =	vgt.f32 v1, v24;
	v15 =	vmax.f32 v1, $0.0e+00;
	[tilespmem:s20+$0xC0F0] =	vst v22  }
0x99: {  	v21 =	vld [tilespmem:s21+$0x4070]  }
0x9a: {  	v22 =	vld [tilespmem:s21+$0x40F0]  }
0x9b: {  	v23 =	vld [tilespmem:s21+$0x4000];
	v5 =	vnsel vm7, $0x0, v5  }
0x9c: {  	v24 =	vld [tilespmem:s21+$0x4010];
	v55 =	vnsel vm8, $0x0, v6;
	[tilespmem:s20+$0xC000] =	vst v5  }
0x9d: {  	v4 =	vnsel vm9, $0x0, v4;
	v57 =	vnsel vm10, $0x0, v8;
	vm14 =	vmor vm2, vm11;
	v56 =	vld [tilespmem:s21+$0x4020];
	[tilespmem:s20+$0xC010] =	vst v55  }
0x9e: {  	vm15 =	vgt.f32 v2, v20;
	v59 =	vnsel vm14, $0x0, v9;
	v5 =	vld [tilespmem:s21+$0x4030];
	[tilespmem:s20+$0xC020] =	vst v4;
	v61 =	vxor.u32 $0x80000000, v21  }
0x9f: {  	vm11 =	vmor vm1, vm15;
	v58 =	vld [tilespmem:s21+$0x4040];
	[tilespmem:s20+$0xC030] =	vst v57;
	vm7 =	vge.f32 v21, $0.0e+00;
	vm12 =	vgt.f32 v22, v61  }
0xa0: {  	vm13 =	vgt.f32 v3, v19;
	v62 =	vnsel vm11, $0x0, v10;
	v60 =	vld [tilespmem:s21+$0x4050];
	[tilespmem:s20+$0xC040] =	vst v59;
	vm8 =	vmor vm7, vm12  }
0xa1: {  	vm14 =	vmor vm0, vm13;
	v63 =	vld [tilespmem:s21+$0x4060];
	[tilespmem:s20+$0xC050] =	vst v62;
	v28 =	vnsel vm8, $0x0, v21  }
0xa2: {  	v30 =	vnsel vm14, $0x0, v7;
	v29 =	vld [tilespmem:s21+$0x4080];
	[tilespmem:s21+$0xC070] =	vst v28  }
0xa3: {  	v32 =	vsel vm5, v11, v17;
	v34 =	vsel vm4, v12, v16;
	v36 =	vmax.f32 v2, $0.0e+00;
	v31 =	vld [tilespmem:s21+$0x4090];
	[tilespmem:s20+$0xC060] =	vst v30  }
0xa4: {  	v38 =	vsel vm6, v13, v18;
	v0 =	vsel vm3, v0, v14;
	v37 =	vmax.f32 v3, $0.0e+00;
	v33 =	vld [tilespmem:s21+$0x40A0];
	[tilespmem:s20+$0xC080] =	vst v32  }
0xa5: {  	v1 =	vsel vm2, v1, v15;
	v2 =	vsel vm1, v2, v36;
	v3 =	vsel vm0, v3, v37;
	v35 =	vld [tilespmem:s21+$0x40B0];
	[tilespmem:s20+$0xC090] =	vst v34  }
0xa6: {  	v39 =	vmax.f32 v22, $0.0e+00;
	vm4 =	vge.f32 v23, $0.0e+00;
	v41 =	vxor.u32 $0x80000000, v23;
	v40 =	vld [tilespmem:s21+$0x40C0];
	[tilespmem:s20+$0xC0A0] =	vst v38  }
0xa7: {  	vm5 =	vge.f32 v24, $0.0e+00;
	v42 =	vxor.u32 $0x80000000, v24;
	v49 =	vsel vm7, v22, v39;
	v44 =	vld [tilespmem:s21+$0x40D0];
	[tilespmem:s20+$0xC0B0] =	vst v0  }
0xa8: {  	vm6 =	vge.f32 v56, $0.0e+00;
	v43 =	vxor.u32 $0x80000000, v56;
	vm3 =	vge.f32 v5, $0.0e+00;
	v46 =	vld [tilespmem:s21+$0x40E0];
	[tilespmem:s20+$0xC0C0] =	vst v1  }
0xa9: {  	v25 =	vxor.u32 $0x80000000, v5;
	vm2 =	vge.f32 v58, $0.0e+00;
	vm15 =	vgt.f32 v29, v41;
	[tilespmem:s20+$0xC0D0] =	vst v2  }
0xaa: {  	v45 =	vxor.u32 $0x80000000, v58;
	vm13 =	vgt.f32 v31, v42;
	vm12 =	vmor vm4, vm15;
	[tilespmem:s20+$0xC0E0] =	vst v3  }
0xab: {  	vm1 =	vge.f32 v60, $0.0e+00;
	vm8 =	vmor vm5, vm13;
	v50 =	vnsel vm12, $0x0, v23;
	[tilespmem:s21+$0xC0F0] =	vst v49  }
0xac: {  	v51 =	vnsel vm8, $0x0, v24;
	vm14 =	vgt.f32 v33, v43;
	[tilespmem:s21+$0xC000] =	vst v50;
	v59 =	vmax.f32 v33, $0.0e+00  }
0xad: {  	[tilespmem:s21+$0xC010] =	vst v51;
	vm15 =	vmor vm6, vm14;
	vm12 =	vgt.f32 v35, v25;
	v2 =	vsel vm6, v33, v59  }
0xae: {  	v47 =	vxor.u32 $0x80000000, v60;
	vm13 =	vmor vm3, vm12;
	v52 =	vnsel vm15, $0x0, v56;
	[tilespmem:s21+$0xC0A0] =	vst v2  }
0xaf: {  	vm14 =	vgt.f32 v40, v45;
	v56 =	vmax.f32 v29, $0.0e+00;
	v53 =	vnsel vm13, $0x0, v5;
	[tilespmem:s21+$0xC020] =	vst v52  }
0xb0: {  	vm0 =	vge.f32 v63, $0.0e+00;
	vm15 =	vmor vm2, vm14;
	v0 =	vsel vm4, v29, v56;
	[tilespmem:s21+$0xC030] =	vst v53  }
0xb1: {  	vm12 =	vgt.f32 v44, v47;
	v62 =	vmax.f32 v44, $0.0e+00;
	v54 =	vnsel vm15, $0x0, v58;
	[tilespmem:s21+$0xC080] =	vst v0  }
0xb2: {  	v48 =	vxor.u32 $0x80000000, v63;
	vm13 =	vmor vm1, vm12;
	v2 =	vsel vm1, v44, v62;
	[tilespmem:s21+$0xC040] =	vst v54  }
0xb3: {  	vm14 =	vgt.f32 v46, v48;
	v58 =	vmax.f32 v31, $0.0e+00;
	v55 =	vnsel vm13, $0x0, v60;
	[tilespmem:s21+$0xC0D0] =	vst v2  }
0xb4: {  	s18 =	sadd.s32 $0x1, s18;
	vm15 =	vmor vm0, vm14;
	v1 =	vsel vm5, v31, v58;
	[tilespmem:s21+$0xC050] =	vst v55  }
0xb5: {  	p0 =	sne.s32 s18, $0x10;
	v60 =	vmax.f32 v35, $0.0e+00;
	v57 =	vnsel vm15, $0x0, v63;
	[tilespmem:s21+$0xC090] =	vst v1  }
.Ltmp5:
0xb6: {  	v61 =	vmax.f32 v40, $0.0e+00;
	v0 =	vsel vm3, v35, v60;
	[tilespmem:s21+$0xC060] =	vst v57;
	(pc) =	sbr.rel @p0 .LBB2_2-.Ltmp5, $4  }
0xb7: {  	v1 =	vsel vm2, v40, v61;
	v63 =	vmax.f32 v46, $0.0e+00;
	[tilespmem:s21+$0xC0B0] =	vst v0  }
0xb8: {  	[tilespmem:s21+$0xC0C0] =	vst v1;
	v0 =	vsel vm0, v46, v63  }
0xb9: {  	s19 =	sadd.s32 s3, s19;
	[tilespmem:s21+$0xC0E0] =	vst v0  }
0xba: {  	[hbm4b:s19+s4] =	stream.linear.scatter [tilespmem:s15], [sflag:$0x4], $0x4000, $0x38;
	[tilespmem:$0x10000] =	vst v63  }
0xbb: {  	s17 =	sadd.s32 $0x1, s17  }
0xbc: {  	_ =	swait.ge [sflag:s16], $0x4000;
	p0 =	sne.s32 s17, s9  }
.Ltmp6:
0xbd: {  	[sflag:s16] =	ssyncset.done $0x0;
	(pc) =	sbr.rel @p0 .LBB2_1-.Ltmp6, $4  }
0xbe: {  	[sflag:s16] =	ssyncadd.s32 $0xFFFFC000  }
0xbf: {  	_ =	swait.ge [sflag:s14], $0x4000  }
0xc0: {  	[sflag:s14] =	ssyncset.done $0x0  }
0xc1: {  	[sflag:s14] =	ssyncadd.s32 $0xFFFFC000  }
0xc2: {  	_ =	sfence.sel $0x180000  }
0xc3: {  	[bflag:$0x0] =	sbarrier.arrive $0xFFFF  }
0xc4: {  	p0 =	sne.s32 s2, $0x0;
	_ =	strace $0x90000047  }
0xc5: {  	s0 =	sadd.s32 @!p0 $0x100000, s0;
	[bflag:$0x2] =	sbarrier.arrive $0xFFFF  }
0xc6: {  	[sflag:s0] =	ssyncadd.tile.s32 @!p0 $0x1;
	_ =	shalt  }
.Lfunc_end2:
_tile_overlayer_lowered:
.L_overlay_start_2:
0xc7: {  	(tag) =	ssettag $0x2  }
0xc8: {  	s0 =	rddreg [dreg:$0x0];
	s2 =	stileid.u32  }
0xc9: {  	s1 =	rddreg [dreg:$0x1];
	p0 =	sne.s32 s2, $0x0  }
0xca: {  	s3 =	rddreg [dreg:$0x2];
	[bflag:$0x3] =	sbarrier.arrive $0xFFFF;
	s2 =	simm.s32 @!p0 $0x1C05  }
0xcb: {  	[timem:s3], [sflag:s2] =	dma.local @!p0 [hbm:s0], s1  }
0xcc: {  	s0 =	simm.s32 @!p0 $0x5  }
0xcd: {  	_ =	swait.ge @!p0 [sflag:s0], s1  }
0xce: {  	s1 =	ssub.s32 @!p0 $0x0, s1;
	[sflag:s0] =	ssyncset.done @!p0 $0x0  }
0xcf: {  	[sflag:s0] =	ssyncadd.s32 @!p0 s1  }
0xd0: {  	[bflag:$0x3] =	sbarrier.arrive $0xFFFF  }
0xd1: {  	_ =	shalt  }

</sc_bundles>
